<compile_context>
chip_gen: v7x
topology: tpu7x:2x2x1
jax: 0.10.2.dev20260603
libtpu: 0.0.44.dev20260713+nightly
codegen_flags: <defaults>
</compile_context>

<pallas_src>
import functools

import jax
import jax.numpy as jnp
from jax import lax
from jax.experimental import pallas as pl
from jax.experimental.pallas import tpu as pltpu
from jax.experimental.pallas import tpu_sc as plsc

_D = 128
_GC = 80
_L = 16
_NC = 2
_NS = 16
_NW = _NC * _NS
_ICHUNK = 2000


@functools.partial(jax.jit, static_argnames=("n_edges",))
def _link_embed(packed_idx, table, n_edges):
    assert n_edges % (_NW * _GC) == 0
    w_edges = n_edges // _NW
    n_groups = w_edges // _GC
    assert n_groups % 2 == 1
    t_iters = n_groups // 2
    assert _ICHUNK % _GC == 0 and w_edges % _ICHUNK == 0
    chunk_groups = _ICHUNK // _GC

    mesh = plsc.VectorSubcoreMesh(
        core_axis_name="c", subcore_axis_name="s",
        num_cores=_NC, num_subcores=_NS,
    )

    n_rows = table.shape[0]
    assert n_rows % 8 == 0 and n_rows <= 2**16
    stripe = ((n_rows + _NS - 1) // _NS + 7) // 8 * 8
    last_stripe = n_rows - (_NS - 1) * stripe
    assert 0 < last_stripe <= stripe

    @functools.partial(
        pl.kernel,
        out_type=jax.ShapeDtypeStruct((n_edges, 2 * _D), jnp.float32),
        mesh=mesh,
        scratch_types=[
            pltpu.VMEM((_ICHUNK,), jnp.int32),
            pltpu.VMEM((2, 2, _GC), jnp.int32),
            pltpu.VMEM((2, 2 * _GC, _D), jnp.float32),
            pltpu.VMEM_SHARED((n_rows, _D), jnp.float32),
            pltpu.SemaphoreType.DMA,
            pltpu.SemaphoreType.DMA,
        ],
    )
    def run(pk_hbm, table_hbm, out_hbm,
            pk_v, idx_v, rows_v, table_sh, gsem0, gsem1):
        sid = lax.axis_index("s")
        wid = lax.axis_index("c") * _NS + sid
        edge_base = wid * w_edges
        r0 = sid * stripe

        @pl.when(sid < _NS - 1)
        def _():
            pltpu.sync_copy(table_hbm.at[pl.ds(r0, stripe)],
                            table_sh.at[pl.ds(r0, stripe)])

        @pl.when(sid == _NS - 1)
        def _():
            pltpu.sync_copy(table_hbm.at[pl.ds(r0, last_stripe)],
                            table_sh.at[pl.ds(r0, last_stripe)])

        def load_idx_chunk(c):
            pltpu.sync_copy(
                pk_hbm.at[pl.ds(edge_base + c * _ICHUNK, _ICHUNK)], pk_v)

        load_idx_chunk(0)
        plsc.subcore_barrier()

        def start_group(g, p, sem):
            loff = lax.rem(g * _GC, _ICHUNK)
            for k in range(_GC // _L):
                v = pk_v[pl.ds(loff + k * _L, _L)]
                idx_v[p, 0, pl.ds(k * _L, _L)] = lax.bitwise_and(v, 0xFFFF)
                idx_v[p, 1, pl.ds(k * _L, _L)] = lax.shift_right_logical(v, 16)
            pltpu.async_copy(table_sh.at[idx_v.at[p, 0]],
                             rows_v.at[p, pl.ds(0, _GC)], sem)
            pltpu.async_copy(table_sh.at[idx_v.at[p, 1]],
                             rows_v.at[p, pl.ds(_GC, _GC)], sem)

        def wait_group(p, sem):
            pltpu.make_async_copy(table_hbm.at[pl.ds(0, 2 * _GC)],
                                  rows_v.at[p], sem).wait()

        def write_group(g, p):
            e0 = edge_base + g * _GC
            pltpu.sync_copy(rows_v.at[p, pl.ds(0, _GC)],
                            out_hbm.at[pl.ds(e0, _GC), pl.ds(0, _D)])
            pltpu.sync_copy(rows_v.at[p, pl.ds(_GC, _GC)],
                            out_hbm.at[pl.ds(e0, _GC), pl.ds(_D, _D)])

        start_group(0, 0, gsem0)

        def reload_before(g):
            pl.when(lax.rem(g, chunk_groups) == 0)(
                lambda: load_idx_chunk(g // chunk_groups))

        def body(j, carry):
            g0 = 2 * j
            reload_before(g0 + 1)
            start_group(g0 + 1, 1, gsem1)
            wait_group(0, gsem0)
            write_group(g0, 0)
            reload_before(g0 + 2)
            start_group(g0 + 2, 0, gsem0)
            wait_group(1, gsem1)
            write_group(g0 + 1, 1)
            return carry

        lax.fori_loop(0, t_iters, body, 0)

        wait_group(0, gsem0)
        write_group(n_groups - 1, 0)

    return run(packed_idx, table)


def kernel(X_2, indices):
    E = indices.shape[0]
    idx32 = indices.astype(jnp.int32)
    packed = idx32[:, 0] | (idx32[:, 1] << 16)
    return _link_embed(packed, X_2, E)

# --- scband reference (transcript-rebuilt; emitter-appended) ---
"""Pipeline reference for scband-link-embedding-2422361555499 (READ-ONLY COPY).

The authoritative reference and input builder live on the scoring server;
editing this copy changes nothing except your own understanding.
"""

import jax, jax.numpy as jnp
import numpy as np


def setup_inputs(seed: int = 0) -> dict:
    key = jax.random.key(seed)
    k1, k2 = jax.random.split(key)
    X_2 = jax.random.normal(k1, (10000, 128), dtype=jnp.float32)
    indices = jax.random.randint(k2, (320000, 2), 0, 10000, dtype=jnp.int64)
    return {"X_2": X_2, "indices": indices}


def reference(X_2, indices):
    # tf.split(indices, 2, axis=1) -> src_nodes [E,1], dst_nodes [E,1]
    # tf.gather_nd(X_2, src_nodes) with [E,1] index tensor gathers rows -> [E, d]
    src_nodes = indices[:, 0]
    dst_nodes = indices[:, 1]
    src_features = jnp.take(X_2, src_nodes, axis=0)
    dst_features = jnp.take(X_2, dst_nodes, axis=0)
    return jnp.concatenate([src_features, dst_features], axis=-1)

if __name__ == "__main__":
    import jax
    _d = setup_inputs()
    print(jax.jit(kernel)(*tuple(_d.values())))

</pallas_src>

<mosaic_0001>
#map = affine_map<(d0, d1) -> (0)>
#map1 = affine_map<(d0, d1) -> (0, 0)>
module attributes {stable_mosaic.version = 14 : i64} {
  func.func @run(%arg0: i32, %arg1: i32, %arg2: memref<320000xi32, #tpu.memory_space<hbm>>, %arg3: memref<10000x128xf32, #tpu.memory_space<hbm>>, %arg4: memref<320000x256xf32, #tpu.memory_space<hbm>>, %arg5: memref<2000xi32, #tpu.memory_space<vmem>>, %arg6: memref<2x2x80xi32, #tpu.memory_space<vmem>>, %arg7: memref<2x160x128xf32, #tpu.memory_space<vmem>>, %arg8: memref<10000x128xf32, #tpu.memory_space<vmem_shared>>, %arg9: memref<!tpu.dma_semaphore, #tpu.memory_space<semaphore_mem>>, %arg10: memref<!tpu.dma_semaphore, #tpu.memory_space<semaphore_mem>>) attributes {dimension_semantics = [#tpu.dimension_semantics<core_parallel>, #tpu.dimension_semantics<subcore_parallel>], iteration_bounds = array<i64: 2, 16>, scalar_prefetch = 0 : i64, scratch_operands = 6 : i64, tpu.core_type = #tpu.core_type<sc_vector_subcore>, window_params = [{transform_indices = #map}, {transform_indices = #map1}, {transform_indices = #map1}]} {
    %mul3A = arith.constant 16 : i32
    %mul3A_0 = arith.muli %arg0, %mul3A : i32
    %add3A = arith.addi %mul3A_0, %arg1 : i32
    %mul3A_1 = arith.constant 10000 : i32
    %mul3A_2 = arith.muli %add3A, %mul3A_1 : i32
    %mul3A_3 = arith.constant 632 : i32
    %mul3A_4 = arith.muli %arg1, %mul3A_3 : i32
    %lt3A = arith.constant 15 : i32
    %lt3A_5 = arith.cmpi slt, %arg1, %lt3A : i32
    %convert_element_type3A = arith.extui %lt3A_5 : i1 to i32
    %cond3A = arith.constant 0 : i32
    %cond3A_6 = arith.cmpi ne, %convert_element_type3A, %cond3A : i32
    scf.if %cond3A_6 {
      "tpu.region"() ({
        %run_scoped3A_193 = tpu.sem_alloc : memref<!tpu.dma_semaphore, #tpu.memory_space<semaphore_mem>>
        %dma_start3A_194 = arith.constant 0 : i32
        %dma_start3A_195 = tpu.memref_slice %arg8[%mul3A_4, %dma_start3A_194] : memref<10000x128xf32, #tpu.memory_space<vmem_shared>> -> memref<632x128xf32, #tpu.memory_space<vmem_shared>>
        %dma_start3A_196 = arith.constant 0 : i32
        %dma_start3A_197 = tpu.memref_slice %arg3[%mul3A_4, %dma_start3A_196] : memref<10000x128xf32, #tpu.memory_space<hbm>> -> memref<632x128xf32, #tpu.memory_space<hbm>>
        tpu.enqueue_dma source(%dma_start3A_197 : memref<632x128xf32, #tpu.memory_space<hbm>>) target(%dma_start3A_195 : memref<632x128xf32, #tpu.memory_space<vmem_shared>>) target_semaphore(%run_scoped3A_193 : memref<!tpu.dma_semaphore, #tpu.memory_space<semaphore_mem>>)
        %dma_wait3A_198 = arith.constant 0 : i32
        %dma_wait3A_199 = tpu.memref_slice %arg8[%mul3A_4, %dma_wait3A_198] : memref<10000x128xf32, #tpu.memory_space<vmem_shared>> -> memref<632x128xf32, #tpu.memory_space<vmem_shared>>
        %dma_wait3A_200 = arith.constant 0 : i32
        %dma_wait3A_201 = tpu.memref_slice %arg3[%mul3A_4, %dma_wait3A_200] : memref<10000x128xf32, #tpu.memory_space<hbm>> -> memref<632x128xf32, #tpu.memory_space<hbm>>
        tpu.wait_dma2 semaphore(%run_scoped3A_193 : memref<!tpu.dma_semaphore, #tpu.memory_space<semaphore_mem>>) src(%dma_wait3A_201 : memref<632x128xf32, #tpu.memory_space<hbm>>) dst(%dma_wait3A_199 : memref<632x128xf32, #tpu.memory_space<vmem_shared>>)
        tpu.yield
      }) : () -> ()
    } else {
    }
    %eq3A = arith.constant 15 : i32
    %eq3A_7 = arith.cmpi eq, %arg1, %eq3A : i32
    %convert_element_type3A_8 = arith.extui %eq3A_7 : i1 to i32
    %cond3A_9 = arith.constant 0 : i32
    %cond3A_10 = arith.cmpi ne, %convert_element_type3A_8, %cond3A_9 : i32
    scf.if %cond3A_10 {
      "tpu.region"() ({
        %run_scoped3A_193 = tpu.sem_alloc : memref<!tpu.dma_semaphore, #tpu.memory_space<semaphore_mem>>
        %dma_start3A_194 = arith.constant 0 : i32
        %dma_start3A_195 = tpu.memref_slice %arg8[%mul3A_4, %dma_start3A_194] : memref<10000x128xf32, #tpu.memory_space<vmem_shared>> -> memref<520x128xf32, #tpu.memory_space<vmem_shared>>
        %dma_start3A_196 = arith.constant 0 : i32
        %dma_start3A_197 = tpu.memref_slice %arg3[%mul3A_4, %dma_start3A_196] : memref<10000x128xf32, #tpu.memory_space<hbm>> -> memref<520x128xf32, #tpu.memory_space<hbm>>
        tpu.enqueue_dma source(%dma_start3A_197 : memref<520x128xf32, #tpu.memory_space<hbm>>) target(%dma_start3A_195 : memref<520x128xf32, #tpu.memory_space<vmem_shared>>) target_semaphore(%run_scoped3A_193 : memref<!tpu.dma_semaphore, #tpu.memory_space<semaphore_mem>>)
        %dma_wait3A_198 = arith.constant 0 : i32
        %dma_wait3A_199 = tpu.memref_slice %arg8[%mul3A_4, %dma_wait3A_198] : memref<10000x128xf32, #tpu.memory_space<vmem_shared>> -> memref<520x128xf32, #tpu.memory_space<vmem_shared>>
        %dma_wait3A_200 = arith.constant 0 : i32
        %dma_wait3A_201 = tpu.memref_slice %arg3[%mul3A_4, %dma_wait3A_200] : memref<10000x128xf32, #tpu.memory_space<hbm>> -> memref<520x128xf32, #tpu.memory_space<hbm>>
        tpu.wait_dma2 semaphore(%run_scoped3A_193 : memref<!tpu.dma_semaphore, #tpu.memory_space<semaphore_mem>>) src(%dma_wait3A_201 : memref<520x128xf32, #tpu.memory_space<hbm>>) dst(%dma_wait3A_199 : memref<520x128xf32, #tpu.memory_space<vmem_shared>>)
        tpu.yield
      }) : () -> ()
    } else {
    }
    %add3A_11 = arith.constant 0 : i32
    %add3A_12 = arith.addi %mul3A_2, %add3A_11 : i32
    "tpu.region"() ({
      %run_scoped3A_193 = tpu.sem_alloc : memref<!tpu.dma_semaphore, #tpu.memory_space<semaphore_mem>>
      %dma_start3A_194 = tpu.memref_slice %arg2[%add3A_12] : memref<320000xi32, #tpu.memory_space<hbm>> -> memref<2000xi32, #tpu.memory_space<hbm>>
      %dma_start3A_195 = tpu.memref_slice %arg2[%add3A_12] : memref<320000xi32, #tpu.memory_space<hbm>> -> memref<2000xi32, #tpu.memory_space<hbm>>
      tpu.enqueue_dma source(%dma_start3A_195 : memref<2000xi32, #tpu.memory_space<hbm>>) target(%arg5 : memref<2000xi32, #tpu.memory_space<vmem>>) target_semaphore(%run_scoped3A_193 : memref<!tpu.dma_semaphore, #tpu.memory_space<semaphore_mem>>)
      %dma_wait3A_196 = tpu.memref_slice %arg2[%add3A_12] : memref<320000xi32, #tpu.memory_space<hbm>> -> memref<2000xi32, #tpu.memory_space<hbm>>
      %dma_wait3A_197 = tpu.memref_slice %arg2[%add3A_12] : memref<320000xi32, #tpu.memory_space<hbm>> -> memref<2000xi32, #tpu.memory_space<hbm>>
      tpu.wait_dma2 semaphore(%run_scoped3A_193 : memref<!tpu.dma_semaphore, #tpu.memory_space<semaphore_mem>>) src(%dma_wait3A_197 : memref<2000xi32, #tpu.memory_space<hbm>>) dst(%arg5 : memref<2000xi32, #tpu.memory_space<vmem>>)
      tpu.yield
    }) : () -> ()
    %barrier3A = arith.constant 0 : index
    tpu.barrier barrier_id(%barrier3A)
    %rem3A = arith.constant 0 : i32
    %rem3A_13 = arith.constant 2000 : i32
    %rem3A_14 = arith.remsi %rem3A, %rem3A_13 : i32
    %add3A_15 = arith.constant 0 : i32
    %add3A_16 = arith.addi %rem3A_14, %add3A_15 : i32
    %get3A = arith.index_cast %add3A_16 : i32 to index
    %get3A_17 = tpu.vector_load %arg5[%get3A] {strides = array<i32>} : memref<2000xi32, #tpu.memory_space<vmem>>, vector<16xi32>,
    %get3A_18 = vector.shape_cast %get3A_17 : vector<16xi32> to vector<16xi32>
    %and3A = arith.constant 65535 : i32
    %and3A_19 = vector.broadcast %and3A : i32 to vector<16xi32>
    %and3A_20 = arith.andi %get3A_18, %and3A_19 : vector<16xi32>
    %swap3A = arith.constant 0 : i32
    %swap3A_21 = arith.constant 0 : i32
    %swap3A_22 = arith.index_cast %swap3A : i32 to index
    %swap3A_23 = arith.index_cast %swap3A_21 : i32 to index
    %swap3A_24 = arith.constant 0 : index
    %swap3A_25 = tpu.vector_load %arg6[%swap3A_22, %swap3A_23, %swap3A_24] {strides = array<i32>} : memref<2x2x80xi32, #tpu.memory_space<vmem>>, vector<1x1x16xi32>,
    %swap3A_26 = vector.shape_cast %swap3A_25 : vector<1x1x16xi32> to vector<16xi32>
    %swap3A_27 = vector.shape_cast %and3A_20 : vector<16xi32> to vector<1x1x16xi32>
    tpu.vector_store %arg6[%swap3A_22, %swap3A_23, %swap3A_24], %swap3A_27 {strides = array<i32>} : memref<2x2x80xi32, #tpu.memory_space<vmem>>, vector<1x1x16xi32>,
    %shift_right_logical3A = arith.constant 16 : i32
    %shift_right_logical3A_28 = vector.broadcast %shift_right_logical3A : i32 to vector<16xi32>
    %shift_right_logical3A_29 = arith.shrui %get3A_18, %shift_right_logical3A_28 : vector<16xi32>
    %swap3A_30 = arith.constant 0 : i32
    %swap3A_31 = arith.constant 1 : i32
    %swap3A_32 = arith.index_cast %swap3A_30 : i32 to index
    %swap3A_33 = arith.index_cast %swap3A_31 : i32 to index
    %swap3A_34 = arith.constant 0 : index
    %swap3A_35 = tpu.vector_load %arg6[%swap3A_32, %swap3A_33, %swap3A_34] {strides = array<i32>} : memref<2x2x80xi32, #tpu.memory_space<vmem>>, vector<1x1x16xi32>,
    %swap3A_36 = vector.shape_cast %swap3A_35 : vector<1x1x16xi32> to vector<16xi32>
    %swap3A_37 = vector.shape_cast %shift_right_logical3A_29 : vector<16xi32> to vector<1x1x16xi32>
    tpu.vector_store %arg6[%swap3A_32, %swap3A_33, %swap3A_34], %swap3A_37 {strides = array<i32>} : memref<2x2x80xi32, #tpu.memory_space<vmem>>, vector<1x1x16xi32>,
    %add3A_38 = arith.constant 16 : i32
    %add3A_39 = arith.addi %rem3A_14, %add3A_38 : i32
    %get3A_40 = arith.index_cast %add3A_39 : i32 to index
    %get3A_41 = tpu.vector_load %arg5[%get3A_40] {strides = array<i32>} : memref<2000xi32, #tpu.memory_space<vmem>>, vector<16xi32>,
    %get3A_42 = vector.shape_cast %get3A_41 : vector<16xi32> to vector<16xi32>
    %and3A_43 = arith.constant 65535 : i32
    %and3A_44 = vector.broadcast %and3A_43 : i32 to vector<16xi32>
    %and3A_45 = arith.andi %get3A_42, %and3A_44 : vector<16xi32>
    %swap3A_46 = arith.constant 0 : i32
    %swap3A_47 = arith.constant 0 : i32
    %swap3A_48 = arith.index_cast %swap3A_46 : i32 to index
    %swap3A_49 = arith.index_cast %swap3A_47 : i32 to index
    %swap3A_50 = arith.constant 16 : index
    %swap3A_51 = tpu.vector_load %arg6[%swap3A_48, %swap3A_49, %swap3A_50] {strides = array<i32>} : memref<2x2x80xi32, #tpu.memory_space<vmem>>, vector<1x1x16xi32>,
    %swap3A_52 = vector.shape_cast %swap3A_51 : vector<1x1x16xi32> to vector<16xi32>
    %swap3A_53 = vector.shape_cast %and3A_45 : vector<16xi32> to vector<1x1x16xi32>
    tpu.vector_store %arg6[%swap3A_48, %swap3A_49, %swap3A_50], %swap3A_53 {strides = array<i32>} : memref<2x2x80xi32, #tpu.memory_space<vmem>>, vector<1x1x16xi32>,
    %shift_right_logical3A_54 = arith.constant 16 : i32
    %shift_right_logical3A_55 = vector.broadcast %shift_right_logical3A_54 : i32 to vector<16xi32>
    %shift_right_logical3A_56 = arith.shrui %get3A_42, %shift_right_logical3A_55 : vector<16xi32>
    %swap3A_57 = arith.constant 0 : i32
    %swap3A_58 = arith.constant 1 : i32
    %swap3A_59 = arith.index_cast %swap3A_57 : i32 to index
    %swap3A_60 = arith.index_cast %swap3A_58 : i32 to index
    %swap3A_61 = arith.constant 16 : index
    %swap3A_62 = tpu.vector_load %arg6[%swap3A_59, %swap3A_60, %swap3A_61] {strides = array<i32>} : memref<2x2x80xi32, #tpu.memory_space<vmem>>, vector<1x1x16xi32>,
    %swap3A_63 = vector.shape_cast %swap3A_62 : vector<1x1x16xi32> to vector<16xi32>
    %swap3A_64 = vector.shape_cast %shift_right_logical3A_56 : vector<16xi32> to vector<1x1x16xi32>
    tpu.vector_store %arg6[%swap3A_59, %swap3A_60, %swap3A_61], %swap3A_64 {strides = array<i32>} : memref<2x2x80xi32, #tpu.memory_space<vmem>>, vector<1x1x16xi32>,
    %add3A_65 = arith.constant 32 : i32
    %add3A_66 = arith.addi %rem3A_14, %add3A_65 : i32
    %get3A_67 = arith.index_cast %add3A_66 : i32 to index
    %get3A_68 = tpu.vector_load %arg5[%get3A_67] {strides = array<i32>} : memref<2000xi32, #tpu.memory_space<vmem>>, vector<16xi32>,
    %get3A_69 = vector.shape_cast %get3A_68 : vector<16xi32> to vector<16xi32>
    %and3A_70 = arith.constant 65535 : i32
    %and3A_71 = vector.broadcast %and3A_70 : i32 to vector<16xi32>
    %and3A_72 = arith.andi %get3A_69, %and3A_71 : vector<16xi32>
    %swap3A_73 = arith.constant 0 : i32
    %swap3A_74 = arith.constant 0 : i32
    %swap3A_75 = arith.index_cast %swap3A_73 : i32 to index
    %swap3A_76 = arith.index_cast %swap3A_74 : i32 to index
    %swap3A_77 = arith.constant 32 : index
    %swap3A_78 = tpu.vector_load %arg6[%swap3A_75, %swap3A_76, %swap3A_77] {strides = array<i32>} : memref<2x2x80xi32, #tpu.memory_space<vmem>>, vector<1x1x16xi32>,
    %swap3A_79 = vector.shape_cast %swap3A_78 : vector<1x1x16xi32> to vector<16xi32>
    %swap3A_80 = vector.shape_cast %and3A_72 : vector<16xi32> to vector<1x1x16xi32>
    tpu.vector_store %arg6[%swap3A_75, %swap3A_76, %swap3A_77], %swap3A_80 {strides = array<i32>} : memref<2x2x80xi32, #tpu.memory_space<vmem>>, vector<1x1x16xi32>,
    %shift_right_logical3A_81 = arith.constant 16 : i32
    %shift_right_logical3A_82 = vector.broadcast %shift_right_logical3A_81 : i32 to vector<16xi32>
    %shift_right_logical3A_83 = arith.shrui %get3A_69, %shift_right_logical3A_82 : vector<16xi32>
    %swap3A_84 = arith.constant 0 : i32
    %swap3A_85 = arith.constant 1 : i32
    %swap3A_86 = arith.index_cast %swap3A_84 : i32 to index
    %swap3A_87 = arith.index_cast %swap3A_85 : i32 to index
    %swap3A_88 = arith.constant 32 : index
    %swap3A_89 = tpu.vector_load %arg6[%swap3A_86, %swap3A_87, %swap3A_88] {strides = array<i32>} : memref<2x2x80xi32, #tpu.memory_space<vmem>>, vector<1x1x16xi32>,
    %swap3A_90 = vector.shape_cast %swap3A_89 : vector<1x1x16xi32> to vector<16xi32>
    %swap3A_91 = vector.shape_cast %shift_right_logical3A_83 : vector<16xi32> to vector<1x1x16xi32>
    tpu.vector_store %arg6[%swap3A_86, %swap3A_87, %swap3A_88], %swap3A_91 {strides = array<i32>} : memref<2x2x80xi32, #tpu.memory_space<vmem>>, vector<1x1x16xi32>,
    %add3A_92 = arith.constant 48 : i32
    %add3A_93 = arith.addi %rem3A_14, %add3A_92 : i32
    %get3A_94 = arith.index_cast %add3A_93 : i32 to index
    %get3A_95 = tpu.vector_load %arg5[%get3A_94] {strides = array<i32>} : memref<2000xi32, #tpu.memory_space<vmem>>, vector<16xi32>,
    %get3A_96 = vector.shape_cast %get3A_95 : vector<16xi32> to vector<16xi32>
    %and3A_97 = arith.constant 65535 : i32
    %and3A_98 = vector.broadcast %and3A_97 : i32 to vector<16xi32>
    %and3A_99 = arith.andi %get3A_96, %and3A_98 : vector<16xi32>
    %swap3A_100 = arith.constant 0 : i32
    %swap3A_101 = arith.constant 0 : i32
    %swap3A_102 = arith.index_cast %swap3A_100 : i32 to index
    %swap3A_103 = arith.index_cast %swap3A_101 : i32 to index
    %swap3A_104 = arith.constant 48 : index
    %swap3A_105 = tpu.vector_load %arg6[%swap3A_102, %swap3A_103, %swap3A_104] {strides = array<i32>} : memref<2x2x80xi32, #tpu.memory_space<vmem>>, vector<1x1x16xi32>,
    %swap3A_106 = vector.shape_cast %swap3A_105 : vector<1x1x16xi32> to vector<16xi32>
    %swap3A_107 = vector.shape_cast %and3A_99 : vector<16xi32> to vector<1x1x16xi32>
    tpu.vector_store %arg6[%swap3A_102, %swap3A_103, %swap3A_104], %swap3A_107 {strides = array<i32>} : memref<2x2x80xi32, #tpu.memory_space<vmem>>, vector<1x1x16xi32>,
    %shift_right_logical3A_108 = arith.constant 16 : i32
    %shift_right_logical3A_109 = vector.broadcast %shift_right_logical3A_108 : i32 to vector<16xi32>
    %shift_right_logical3A_110 = arith.shrui %get3A_96, %shift_right_logical3A_109 : vector<16xi32>
    %swap3A_111 = arith.constant 0 : i32
    %swap3A_112 = arith.constant 1 : i32
    %swap3A_113 = arith.index_cast %swap3A_111 : i32 to index
    %swap3A_114 = arith.index_cast %swap3A_112 : i32 to index
    %swap3A_115 = arith.constant 48 : index
    %swap3A_116 = tpu.vector_load %arg6[%swap3A_113, %swap3A_114, %swap3A_115] {strides = array<i32>} : memref<2x2x80xi32, #tpu.memory_space<vmem>>, vector<1x1x16xi32>,
    %swap3A_117 = vector.shape_cast %swap3A_116 : vector<1x1x16xi32> to vector<16xi32>
    %swap3A_118 = vector.shape_cast %shift_right_logical3A_110 : vector<16xi32> to vector<1x1x16xi32>
    tpu.vector_store %arg6[%swap3A_113, %swap3A_114, %swap3A_115], %swap3A_118 {strides = array<i32>} : memref<2x2x80xi32, #tpu.memory_space<vmem>>, vector<1x1x16xi32>,
    %add3A_119 = arith.constant 64 : i32
    %add3A_120 = arith.addi %rem3A_14, %add3A_119 : i32
    %get3A_121 = arith.index_cast %add3A_120 : i32 to index
    %get3A_122 = tpu.vector_load %arg5[%get3A_121] {strides = array<i32>} : memref<2000xi32, #tpu.memory_space<vmem>>, vector<16xi32>,
    %get3A_123 = vector.shape_cast %get3A_122 : vector<16xi32> to vector<16xi32>
    %and3A_124 = arith.constant 65535 : i32
    %and3A_125 = vector.broadcast %and3A_124 : i32 to vector<16xi32>
    %and3A_126 = arith.andi %get3A_123, %and3A_125 : vector<16xi32>
    %swap3A_127 = arith.constant 0 : i32
    %swap3A_128 = arith.constant 0 : i32
    %swap3A_129 = arith.index_cast %swap3A_127 : i32 to index
    %swap3A_130 = arith.index_cast %swap3A_128 : i32 to index
    %swap3A_131 = arith.constant 64 : index
    %swap3A_132 = tpu.vector_load %arg6[%swap3A_129, %swap3A_130, %swap3A_131] {strides = array<i32>} : memref<2x2x80xi32, #tpu.memory_space<vmem>>, vector<1x1x16xi32>,
    %swap3A_133 = vector.shape_cast %swap3A_132 : vector<1x1x16xi32> to vector<16xi32>
    %swap3A_134 = vector.shape_cast %and3A_126 : vector<16xi32> to vector<1x1x16xi32>
    tpu.vector_store %arg6[%swap3A_129, %swap3A_130, %swap3A_131], %swap3A_134 {strides = array<i32>} : memref<2x2x80xi32, #tpu.memory_space<vmem>>, vector<1x1x16xi32>,
    %shift_right_logical3A_135 = arith.constant 16 : i32
    %shift_right_logical3A_136 = vector.broadcast %shift_right_logical3A_135 : i32 to vector<16xi32>
    %shift_right_logical3A_137 = arith.shrui %get3A_123, %shift_right_logical3A_136 : vector<16xi32>
    %swap3A_138 = arith.constant 0 : i32
    %swap3A_139 = arith.constant 1 : i32
    %swap3A_140 = arith.index_cast %swap3A_138 : i32 to index
    %swap3A_141 = arith.index_cast %swap3A_139 : i32 to index
    %swap3A_142 = arith.constant 64 : index
    %swap3A_143 = tpu.vector_load %arg6[%swap3A_140, %swap3A_141, %swap3A_142] {strides = array<i32>} : memref<2x2x80xi32, #tpu.memory_space<vmem>>, vector<1x1x16xi32>,
    %swap3A_144 = vector.shape_cast %swap3A_143 : vector<1x1x16xi32> to vector<16xi32>
    %swap3A_145 = vector.shape_cast %shift_right_logical3A_137 : vector<16xi32> to vector<1x1x16xi32>
    tpu.vector_store %arg6[%swap3A_140, %swap3A_141, %swap3A_142], %swap3A_145 {strides = array<i32>} : memref<2x2x80xi32, #tpu.memory_space<vmem>>, vector<1x1x16xi32>,
    %dma_start3A = arith.constant 0 : i32
    %dma_start3A_146 = arith.constant 0 : i32
    %dma_start3A_147 = arith.constant 0 : i32
    %dma_start3A_148 = arith.constant 0 : i32
    %dma_start3A_149 = arith.constant 0 : i32
    %dma_start3A_150 = tpu.memref_slice %arg7[%dma_start3A_147, %dma_start3A_148, %dma_start3A_149] : memref<2x160x128xf32, #tpu.memory_space<vmem>> -> memref<1x80x128xf32, #tpu.memory_space<vmem>>
    %dma_start3A_151 = tpu.memref_squeeze %dma_start3A_150 : memref<1x80x128xf32, #tpu.memory_space<vmem>> -> memref<80x128xf32, #tpu.memory_space<vmem>>
    %dma_start3A_152 = arith.constant 0 : i32
    %dma_start3A_153 = tpu.memref_slice %arg6[%dma_start3A, %dma_start3A_146, %dma_start3A_152] : memref<2x2x80xi32, #tpu.memory_space<vmem>> -> memref<1x1x80xi32, #tpu.memory_space<vmem>>
    %dma_start3A_154 = tpu.memref_squeeze %dma_start3A_153 : memref<1x1x80xi32, #tpu.memory_space<vmem>> -> memref<80xi32, #tpu.memory_space<vmem>>
    %dma_start3A_155 = arith.constant 0 : i32
    %dma_start3A_156 = arith.constant 0 : i32
    %dma_start3A_157 = tpu.memref_slice %arg8[%dma_start3A_155, %dma_start3A_156] : memref<10000x128xf32, #tpu.memory_space<vmem_shared>> -> memref<10000x128xf32, #tpu.memory_space<vmem_shared>>
    tpu.enqueue_indirect_dma source(%dma_start3A_157 : memref<10000x128xf32, #tpu.memory_space<vmem_shared>>) target(%dma_start3A_151 : memref<80x128xf32, #tpu.memory_space<vmem>>) offsets(%dma_start3A_154 : memref<80xi32, #tpu.memory_space<vmem>>) semaphore(%arg9 : memref<!tpu.dma_semaphore, #tpu.memory_space<semaphore_mem>>)
    %dma_start3A_158 = arith.constant 0 : i32
    %dma_start3A_159 = arith.constant 1 : i32
    %dma_start3A_160 = arith.constant 0 : i32
    %dma_start3A_161 = arith.constant 80 : i32
    %dma_start3A_162 = arith.constant 0 : i32
    %dma_start3A_163 = tpu.memref_slice %arg7[%dma_start3A_160, %dma_start3A_161, %dma_start3A_162] : memref<2x160x128xf32, #tpu.memory_space<vmem>> -> memref<1x80x128xf32, #tpu.memory_space<vmem>>
    %dma_start3A_164 = tpu.memref_squeeze %dma_start3A_163 : memref<1x80x128xf32, #tpu.memory_space<vmem>> -> memref<80x128xf32, #tpu.memory_space<vmem>>
    %dma_start3A_165 = arith.constant 0 : i32
    %dma_start3A_166 = tpu.memref_slice %arg6[%dma_start3A_158, %dma_start3A_159, %dma_start3A_165] : memref<2x2x80xi32, #tpu.memory_space<vmem>> -> memref<1x1x80xi32, #tpu.memory_space<vmem>>
    %dma_start3A_167 = tpu.memref_squeeze %dma_start3A_166 : memref<1x1x80xi32, #tpu.memory_space<vmem>> -> memref<80xi32, #tpu.memory_space<vmem>>
    %dma_start3A_168 = arith.constant 0 : i32
    %dma_start3A_169 = arith.constant 0 : i32
    %dma_start3A_170 = tpu.memref_slice %arg8[%dma_start3A_168, %dma_start3A_169] : memref<10000x128xf32, #tpu.memory_space<vmem_shared>> -> memref<10000x128xf32, #tpu.memory_space<vmem_shared>>
    tpu.enqueue_indirect_dma source(%dma_start3A_170 : memref<10000x128xf32, #tpu.memory_space<vmem_shared>>) target(%dma_start3A_164 : memref<80x128xf32, #tpu.memory_space<vmem>>) offsets(%dma_start3A_167 : memref<80xi32, #tpu.memory_space<vmem>>) semaphore(%arg9 : memref<!tpu.dma_semaphore, #tpu.memory_space<semaphore_mem>>)
    %scan3A = arith.constant 0 : i32
    %scan3A_171 = arith.constant 0 : i32
    %scan3A_172 = arith.constant 62 : i32
    %scan3A_173 = arith.addi %scan3A_171, %scan3A_172 : i32
    %scan3A_174 = arith.constant 1 : i32
    scf.for %scan3A_193 = %scan3A_171 to %scan3A_173 step %scan3A_174  : i32 {
      %mul3A_194 = arith.constant 2 : i32
      %mul3A_195 = arith.muli %mul3A_194, %scan3A_193 : i32
      %add3A_196 = arith.constant 1 : i32
      %add3A_197 = arith.addi %mul3A_195, %add3A_196 : i32
      %rem3A_198 = arith.constant 25 : i32
      %rem3A_199 = arith.remsi %add3A_197, %rem3A_198 : i32
      %eq3A_200 = arith.constant 0 : i32
      %eq3A_201 = arith.cmpi eq, %rem3A_199, %eq3A_200 : i32
      %convert_element_type3A_202 = arith.extui %eq3A_201 : i1 to i32
      %cond3A_203 = arith.constant 0 : i32
      %cond3A_204 = arith.cmpi ne, %convert_element_type3A_202, %cond3A_203 : i32
      scf.if %cond3A_204 {
        %jit3A = arith.constant 25 : i32
        %div3A = arith.divsi %add3A_197, %jit3A : i32
        %sign3A = arith.constant 0 : i32
        %sign3A_590 = arith.cmpi sgt, %add3A_197, %sign3A : i32
        %sign3A_591 = arith.extui %sign3A_590 : i1 to i32
        %sign3A_592 = arith.constant 0 : i32
        %sign3A_593 = arith.cmpi slt, %add3A_197, %sign3A_592 : i32
        %sign3A_594 = arith.extui %sign3A_593 : i1 to i32
        %sign3A_595 = arith.subi %sign3A_591, %sign3A_594 : i32
        %sign3A_596 = arith.constant 0 : i32
        %sign3A_597 = arith.cmpi sgt, %jit3A, %sign3A_596 : i32
        %sign3A_598 = arith.extui %sign3A_597 : i1 to i32
        %sign3A_599 = arith.constant 0 : i32
        %sign3A_600 = arith.cmpi slt, %jit3A, %sign3A_599 : i32
        %sign3A_601 = arith.extui %sign3A_600 : i1 to i32
        %sign3A_602 = arith.subi %sign3A_598, %sign3A_601 : i32
        %ne3A = arith.cmpi ne, %sign3A_595, %sign3A_602 : i32
        %rem3A_603 = arith.remsi %add3A_197, %jit3A : i32
        %ne3A_604 = arith.constant 0 : i32
        %ne3A_605 = arith.cmpi ne, %rem3A_603, %ne3A_604 : i32
        %and3A_606 = arith.andi %ne3A, %ne3A_605 : i1
        %sub3A = arith.constant 1 : i32
        %sub3A_607 = arith.subi %div3A, %sub3A : i32
        %select_n3A = arith.select %and3A_606, %sub3A_607, %div3A : i32
        %mul3A_608 = arith.constant 2000 : i32
        %mul3A_609 = arith.muli %select_n3A, %mul3A_608 : i32
        %add3A_610 = arith.addi %mul3A_2, %mul3A_609 : i32
        "tpu.region"() ({
          %run_scoped3A_611 = tpu.sem_alloc : memref<!tpu.dma_semaphore, #tpu.memory_space<semaphore_mem>>
          %dma_start3A_612 = tpu.memref_slice %arg2[%add3A_610] : memref<320000xi32, #tpu.memory_space<hbm>> -> memref<2000xi32, #tpu.memory_space<hbm>>
          %dma_start3A_613 = tpu.memref_slice %arg2[%add3A_610] : memref<320000xi32, #tpu.memory_space<hbm>> -> memref<2000xi32, #tpu.memory_space<hbm>>
          tpu.enqueue_dma source(%dma_start3A_613 : memref<2000xi32, #tpu.memory_space<hbm>>) target(%arg5 : memref<2000xi32, #tpu.memory_space<vmem>>) target_semaphore(%run_scoped3A_611 : memref<!tpu.dma_semaphore, #tpu.memory_space<semaphore_mem>>)
          %dma_wait3A_614 = tpu.memref_slice %arg2[%add3A_610] : memref<320000xi32, #tpu.memory_space<hbm>> -> memref<2000xi32, #tpu.memory_space<hbm>>
          %dma_wait3A_615 = tpu.memref_slice %arg2[%add3A_610] : memref<320000xi32, #tpu.memory_space<hbm>> -> memref<2000xi32, #tpu.memory_space<hbm>>
          tpu.wait_dma2 semaphore(%run_scoped3A_611 : memref<!tpu.dma_semaphore, #tpu.memory_space<semaphore_mem>>) src(%dma_wait3A_615 : memref<2000xi32, #tpu.memory_space<hbm>>) dst(%arg5 : memref<2000xi32, #tpu.memory_space<vmem>>)
          tpu.yield
        }) : () -> ()
      } else {
      }
      %add3A_205 = arith.constant 1 : i32
      %add3A_206 = arith.addi %mul3A_195, %add3A_205 : i32
      %mul3A_207 = arith.constant 80 : i32
      %mul3A_208 = arith.muli %add3A_206, %mul3A_207 : i32
      %rem3A_209 = arith.constant 2000 : i32
      %rem3A_210 = arith.remsi %mul3A_208, %rem3A_209 : i32
      %add3A_211 = arith.constant 0 : i32
      %add3A_212 = arith.addi %rem3A_210, %add3A_211 : i32
      %get3A_213 = arith.index_cast %add3A_212 : i32 to index
      %get3A_214 = tpu.vector_load %arg5[%get3A_213] {strides = array<i32>} : memref<2000xi32, #tpu.memory_space<vmem>>, vector<16xi32>,
      %get3A_215 = vector.shape_cast %get3A_214 : vector<16xi32> to vector<16xi32>
      %and3A_216 = arith.constant 65535 : i32
      %and3A_217 = vector.broadcast %and3A_216 : i32 to vector<16xi32>
      %and3A_218 = arith.andi %get3A_215, %and3A_217 : vector<16xi32>
      %swap3A_219 = arith.constant 1 : i32
      %swap3A_220 = arith.constant 0 : i32
      %swap3A_221 = arith.index_cast %swap3A_219 : i32 to index
      %swap3A_222 = arith.index_cast %swap3A_220 : i32 to index
      %swap3A_223 = arith.constant 0 : index
      %swap3A_224 = tpu.vector_load %arg6[%swap3A_221, %swap3A_222, %swap3A_223] {strides = array<i32>} : memref<2x2x80xi32, #tpu.memory_space<vmem>>, vector<1x1x16xi32>,
      %swap3A_225 = vector.shape_cast %swap3A_224 : vector<1x1x16xi32> to vector<16xi32>
      %swap3A_226 = vector.shape_cast %and3A_218 : vector<16xi32> to vector<1x1x16xi32>
      tpu.vector_store %arg6[%swap3A_221, %swap3A_222, %swap3A_223], %swap3A_226 {strides = array<i32>} : memref<2x2x80xi32, #tpu.memory_space<vmem>>, vector<1x1x16xi32>,
      %shift_right_logical3A_227 = arith.constant 16 : i32
      %shift_right_logical3A_228 = vector.broadcast %shift_right_logical3A_227 : i32 to vector<16xi32>
      %shift_right_logical3A_229 = arith.shrui %get3A_215, %shift_right_logical3A_228 : vector<16xi32>
      %swap3A_230 = arith.constant 1 : i32
      %swap3A_231 = arith.constant 1 : i32
      %swap3A_232 = arith.index_cast %swap3A_230 : i32 to index
      %swap3A_233 = arith.index_cast %swap3A_231 : i32 to index
      %swap3A_234 = arith.constant 0 : index
      %swap3A_235 = tpu.vector_load %arg6[%swap3A_232, %swap3A_233, %swap3A_234] {strides = array<i32>} : memref<2x2x80xi32, #tpu.memory_space<vmem>>, vector<1x1x16xi32>,
      %swap3A_236 = vector.shape_cast %swap3A_235 : vector<1x1x16xi32> to vector<16xi32>
      %swap3A_237 = vector.shape_cast %shift_right_logical3A_229 : vector<16xi32> to vector<1x1x16xi32>
      tpu.vector_store %arg6[%swap3A_232, %swap3A_233, %swap3A_234], %swap3A_237 {strides = array<i32>} : memref<2x2x80xi32, #tpu.memory_space<vmem>>, vector<1x1x16xi32>,
      %add3A_238 = arith.constant 16 : i32
      %add3A_239 = arith.addi %rem3A_210, %add3A_238 : i32
      %get3A_240 = arith.index_cast %add3A_239 : i32 to index
      %get3A_241 = tpu.vector_load %arg5[%get3A_240] {strides = array<i32>} : memref<2000xi32, #tpu.memory_space<vmem>>, vector<16xi32>,
      %get3A_242 = vector.shape_cast %get3A_241 : vector<16xi32> to vector<16xi32>
      %and3A_243 = arith.constant 65535 : i32
      %and3A_244 = vector.broadcast %and3A_243 : i32 to vector<16xi32>
      %and3A_245 = arith.andi %get3A_242, %and3A_244 : vector<16xi32>
      %swap3A_246 = arith.constant 1 : i32
      %swap3A_247 = arith.constant 0 : i32
      %swap3A_248 = arith.index_cast %swap3A_246 : i32 to index
      %swap3A_249 = arith.index_cast %swap3A_247 : i32 to index
      %swap3A_250 = arith.constant 16 : index
      %swap3A_251 = tpu.vector_load %arg6[%swap3A_248, %swap3A_249, %swap3A_250] {strides = array<i32>} : memref<2x2x80xi32, #tpu.memory_space<vmem>>, vector<1x1x16xi32>,
      %swap3A_252 = vector.shape_cast %swap3A_251 : vector<1x1x16xi32> to vector<16xi32>
      %swap3A_253 = vector.shape_cast %and3A_245 : vector<16xi32> to vector<1x1x16xi32>
      tpu.vector_store %arg6[%swap3A_248, %swap3A_249, %swap3A_250], %swap3A_253 {strides = array<i32>} : memref<2x2x80xi32, #tpu.memory_space<vmem>>, vector<1x1x16xi32>,
      %shift_right_logical3A_254 = arith.constant 16 : i32
      %shift_right_logical3A_255 = vector.broadcast %shift_right_logical3A_254 : i32 to vector<16xi32>
      %shift_right_logical3A_256 = arith.shrui %get3A_242, %shift_right_logical3A_255 : vector<16xi32>
      %swap3A_257 = arith.constant 1 : i32
      %swap3A_258 = arith.constant 1 : i32
      %swap3A_259 = arith.index_cast %swap3A_257 : i32 to index
      %swap3A_260 = arith.index_cast %swap3A_258 : i32 to index
      %swap3A_261 = arith.constant 16 : index
      %swap3A_262 = tpu.vector_load %arg6[%swap3A_259, %swap3A_260, %swap3A_261] {strides = array<i32>} : memref<2x2x80xi32, #tpu.memory_space<vmem>>, vector<1x1x16xi32>,
      %swap3A_263 = vector.shape_cast %swap3A_262 : vector<1x1x16xi32> to vector<16xi32>
      %swap3A_264 = vector.shape_cast %shift_right_logical3A_256 : vector<16xi32> to vector<1x1x16xi32>
      tpu.vector_store %arg6[%swap3A_259, %swap3A_260, %swap3A_261], %swap3A_264 {strides = array<i32>} : memref<2x2x80xi32, #tpu.memory_space<vmem>>, vector<1x1x16xi32>,
      %add3A_265 = arith.constant 32 : i32
      %add3A_266 = arith.addi %rem3A_210, %add3A_265 : i32
      %get3A_267 = arith.index_cast %add3A_266 : i32 to index
      %get3A_268 = tpu.vector_load %arg5[%get3A_267] {strides = array<i32>} : memref<2000xi32, #tpu.memory_space<vmem>>, vector<16xi32>,
      %get3A_269 = vector.shape_cast %get3A_268 : vector<16xi32> to vector<16xi32>
      %and3A_270 = arith.constant 65535 : i32
      %and3A_271 = vector.broadcast %and3A_270 : i32 to vector<16xi32>
      %and3A_272 = arith.andi %get3A_269, %and3A_271 : vector<16xi32>
      %swap3A_273 = arith.constant 1 : i32
      %swap3A_274 = arith.constant 0 : i32
      %swap3A_275 = arith.index_cast %swap3A_273 : i32 to index
      %swap3A_276 = arith.index_cast %swap3A_274 : i32 to index
      %swap3A_277 = arith.constant 32 : index
      %swap3A_278 = tpu.vector_load %arg6[%swap3A_275, %swap3A_276, %swap3A_277] {strides = array<i32>} : memref<2x2x80xi32, #tpu.memory_space<vmem>>, vector<1x1x16xi32>,
      %swap3A_279 = vector.shape_cast %swap3A_278 : vector<1x1x16xi32> to vector<16xi32>
      %swap3A_280 = vector.shape_cast %and3A_272 : vector<16xi32> to vector<1x1x16xi32>
      tpu.vector_store %arg6[%swap3A_275, %swap3A_276, %swap3A_277], %swap3A_280 {strides = array<i32>} : memref<2x2x80xi32, #tpu.memory_space<vmem>>, vector<1x1x16xi32>,
      %shift_right_logical3A_281 = arith.constant 16 : i32
      %shift_right_logical3A_282 = vector.broadcast %shift_right_logical3A_281 : i32 to vector<16xi32>
      %shift_right_logical3A_283 = arith.shrui %get3A_269, %shift_right_logical3A_282 : vector<16xi32>
      %swap3A_284 = arith.constant 1 : i32
      %swap3A_285 = arith.constant 1 : i32
      %swap3A_286 = arith.index_cast %swap3A_284 : i32 to index
      %swap3A_287 = arith.index_cast %swap3A_285 : i32 to index
      %swap3A_288 = arith.constant 32 : index
      %swap3A_289 = tpu.vector_load %arg6[%swap3A_286, %swap3A_287, %swap3A_288] {strides = array<i32>} : memref<2x2x80xi32, #tpu.memory_space<vmem>>, vector<1x1x16xi32>,
      %swap3A_290 = vector.shape_cast %swap3A_289 : vector<1x1x16xi32> to vector<16xi32>
      %swap3A_291 = vector.shape_cast %shift_right_logical3A_283 : vector<16xi32> to vector<1x1x16xi32>
      tpu.vector_store %arg6[%swap3A_286, %swap3A_287, %swap3A_288], %swap3A_291 {strides = array<i32>} : memref<2x2x80xi32, #tpu.memory_space<vmem>>, vector<1x1x16xi32>,
      %add3A_292 = arith.constant 48 : i32
      %add3A_293 = arith.addi %rem3A_210, %add3A_292 : i32
      %get3A_294 = arith.index_cast %add3A_293 : i32 to index
      %get3A_295 = tpu.vector_load %arg5[%get3A_294] {strides = array<i32>} : memref<2000xi32, #tpu.memory_space<vmem>>, vector<16xi32>,
      %get3A_296 = vector.shape_cast %get3A_295 : vector<16xi32> to vector<16xi32>
      %and3A_297 = arith.constant 65535 : i32
      %and3A_298 = vector.broadcast %and3A_297 : i32 to vector<16xi32>
      %and3A_299 = arith.andi %get3A_296, %and3A_298 : vector<16xi32>
      %swap3A_300 = arith.constant 1 : i32
      %swap3A_301 = arith.constant 0 : i32
      %swap3A_302 = arith.index_cast %swap3A_300 : i32 to index
      %swap3A_303 = arith.index_cast %swap3A_301 : i32 to index
      %swap3A_304 = arith.constant 48 : index
      %swap3A_305 = tpu.vector_load %arg6[%swap3A_302, %swap3A_303, %swap3A_304] {strides = array<i32>} : memref<2x2x80xi32, #tpu.memory_space<vmem>>, vector<1x1x16xi32>,
      %swap3A_306 = vector.shape_cast %swap3A_305 : vector<1x1x16xi32> to vector<16xi32>
      %swap3A_307 = vector.shape_cast %and3A_299 : vector<16xi32> to vector<1x1x16xi32>
      tpu.vector_store %arg6[%swap3A_302, %swap3A_303, %swap3A_304], %swap3A_307 {strides = array<i32>} : memref<2x2x80xi32, #tpu.memory_space<vmem>>, vector<1x1x16xi32>,
      %shift_right_logical3A_308 = arith.constant 16 : i32
      %shift_right_logical3A_309 = vector.broadcast %shift_right_logical3A_308 : i32 to vector<16xi32>
      %shift_right_logical3A_310 = arith.shrui %get3A_296, %shift_right_logical3A_309 : vector<16xi32>
      %swap3A_311 = arith.constant 1 : i32
      %swap3A_312 = arith.constant 1 : i32
      %swap3A_313 = arith.index_cast %swap3A_311 : i32 to index
      %swap3A_314 = arith.index_cast %swap3A_312 : i32 to index
      %swap3A_315 = arith.constant 48 : index
      %swap3A_316 = tpu.vector_load %arg6[%swap3A_313, %swap3A_314, %swap3A_315] {strides = array<i32>} : memref<2x2x80xi32, #tpu.memory_space<vmem>>, vector<1x1x16xi32>,
      %swap3A_317 = vector.shape_cast %swap3A_316 : vector<1x1x16xi32> to vector<16xi32>
      %swap3A_318 = vector.shape_cast %shift_right_logical3A_310 : vector<16xi32> to vector<1x1x16xi32>
      tpu.vector_store %arg6[%swap3A_313, %swap3A_314, %swap3A_315], %swap3A_318 {strides = array<i32>} : memref<2x2x80xi32, #tpu.memory_space<vmem>>, vector<1x1x16xi32>,
      %add3A_319 = arith.constant 64 : i32
      %add3A_320 = arith.addi %rem3A_210, %add3A_319 : i32
      %get3A_321 = arith.index_cast %add3A_320 : i32 to index
      %get3A_322 = tpu.vector_load %arg5[%get3A_321] {strides = array<i32>} : memref<2000xi32, #tpu.memory_space<vmem>>, vector<16xi32>,
      %get3A_323 = vector.shape_cast %get3A_322 : vector<16xi32> to vector<16xi32>
      %and3A_324 = arith.constant 65535 : i32
      %and3A_325 = vector.broadcast %and3A_324 : i32 to vector<16xi32>
      %and3A_326 = arith.andi %get3A_323, %and3A_325 : vector<16xi32>
      %swap3A_327 = arith.constant 1 : i32
      %swap3A_328 = arith.constant 0 : i32
      %swap3A_329 = arith.index_cast %swap3A_327 : i32 to index
      %swap3A_330 = arith.index_cast %swap3A_328 : i32 to index
      %swap3A_331 = arith.constant 64 : index
      %swap3A_332 = tpu.vector_load %arg6[%swap3A_329, %swap3A_330, %swap3A_331] {strides = array<i32>} : memref<2x2x80xi32, #tpu.memory_space<vmem>>, vector<1x1x16xi32>,
      %swap3A_333 = vector.shape_cast %swap3A_332 : vector<1x1x16xi32> to vector<16xi32>
      %swap3A_334 = vector.shape_cast %and3A_326 : vector<16xi32> to vector<1x1x16xi32>
      tpu.vector_store %arg6[%swap3A_329, %swap3A_330, %swap3A_331], %swap3A_334 {strides = array<i32>} : memref<2x2x80xi32, #tpu.memory_space<vmem>>, vector<1x1x16xi32>,
      %shift_right_logical3A_335 = arith.constant 16 : i32
      %shift_right_logical3A_336 = vector.broadcast %shift_right_logical3A_335 : i32 to vector<16xi32>
      %shift_right_logical3A_337 = arith.shrui %get3A_323, %shift_right_logical3A_336 : vector<16xi32>
      %swap3A_338 = arith.constant 1 : i32
      %swap3A_339 = arith.constant 1 : i32
      %swap3A_340 = arith.index_cast %swap3A_338 : i32 to index
      %swap3A_341 = arith.index_cast %swap3A_339 : i32 to index
      %swap3A_342 = arith.constant 64 : index
      %swap3A_343 = tpu.vector_load %arg6[%swap3A_340, %swap3A_341, %swap3A_342] {strides = array<i32>} : memref<2x2x80xi32, #tpu.memory_space<vmem>>, vector<1x1x16xi32>,
      %swap3A_344 = vector.shape_cast %swap3A_343 : vector<1x1x16xi32> to vector<16xi32>
      %swap3A_345 = vector.shape_cast %shift_right_logical3A_337 : vector<16xi32> to vector<1x1x16xi32>
      tpu.vector_store %arg6[%swap3A_340, %swap3A_341, %swap3A_342], %swap3A_345 {strides = array<i32>} : memref<2x2x80xi32, #tpu.memory_space<vmem>>, vector<1x1x16xi32>,
      %dma_start3A_346 = arith.constant 1 : i32
      %dma_start3A_347 = arith.constant 0 : i32
      %dma_start3A_348 = arith.constant 1 : i32
      %dma_start3A_349 = arith.constant 0 : i32
      %dma_start3A_350 = arith.constant 0 : i32
      %dma_start3A_351 = tpu.memref_slice %arg7[%dma_start3A_348, %dma_start3A_349, %dma_start3A_350] : memref<2x160x128xf32, #tpu.memory_space<vmem>> -> memref<1x80x128xf32, #tpu.memory_space<vmem>>
      %dma_start3A_352 = tpu.memref_squeeze %dma_start3A_351 : memref<1x80x128xf32, #tpu.memory_space<vmem>> -> memref<80x128xf32, #tpu.memory_space<vmem>>
      %dma_start3A_353 = arith.constant 0 : i32
      %dma_start3A_354 = tpu.memref_slice %arg6[%dma_start3A_346, %dma_start3A_347, %dma_start3A_353] : memref<2x2x80xi32, #tpu.memory_space<vmem>> -> memref<1x1x80xi32, #tpu.memory_space<vmem>>
      %dma_start3A_355 = tpu.memref_squeeze %dma_start3A_354 : memref<1x1x80xi32, #tpu.memory_space<vmem>> -> memref<80xi32, #tpu.memory_space<vmem>>
      %dma_start3A_356 = arith.constant 0 : i32
      %dma_start3A_357 = arith.constant 0 : i32
      %dma_start3A_358 = tpu.memref_slice %arg8[%dma_start3A_356, %dma_start3A_357] : memref<10000x128xf32, #tpu.memory_space<vmem_shared>> -> memref<10000x128xf32, #tpu.memory_space<vmem_shared>>
      tpu.enqueue_indirect_dma source(%dma_start3A_358 : memref<10000x128xf32, #tpu.memory_space<vmem_shared>>) target(%dma_start3A_352 : memref<80x128xf32, #tpu.memory_space<vmem>>) offsets(%dma_start3A_355 : memref<80xi32, #tpu.memory_space<vmem>>) semaphore(%arg10 : memref<!tpu.dma_semaphore, #tpu.memory_space<semaphore_mem>>)
      %dma_start3A_359 = arith.constant 1 : i32
      %dma_start3A_360 = arith.constant 1 : i32
      %dma_start3A_361 = arith.constant 1 : i32
      %dma_start3A_362 = arith.constant 80 : i32
      %dma_start3A_363 = arith.constant 0 : i32
      %dma_start3A_364 = tpu.memref_slice %arg7[%dma_start3A_361, %dma_start3A_362, %dma_start3A_363] : memref<2x160x128xf32, #tpu.memory_space<vmem>> -> memref<1x80x128xf32, #tpu.memory_space<vmem>>
      %dma_start3A_365 = tpu.memref_squeeze %dma_start3A_364 : memref<1x80x128xf32, #tpu.memory_space<vmem>> -> memref<80x128xf32, #tpu.memory_space<vmem>>
      %dma_start3A_366 = arith.constant 0 : i32
      %dma_start3A_367 = tpu.memref_slice %arg6[%dma_start3A_359, %dma_start3A_360, %dma_start3A_366] : memref<2x2x80xi32, #tpu.memory_space<vmem>> -> memref<1x1x80xi32, #tpu.memory_space<vmem>>
      %dma_start3A_368 = tpu.memref_squeeze %dma_start3A_367 : memref<1x1x80xi32, #tpu.memory_space<vmem>> -> memref<80xi32, #tpu.memory_space<vmem>>
      %dma_start3A_369 = arith.constant 0 : i32
      %dma_start3A_370 = arith.constant 0 : i32
      %dma_start3A_371 = tpu.memref_slice %arg8[%dma_start3A_369, %dma_start3A_370] : memref<10000x128xf32, #tpu.memory_space<vmem_shared>> -> memref<10000x128xf32, #tpu.memory_space<vmem_shared>>
      tpu.enqueue_indirect_dma source(%dma_start3A_371 : memref<10000x128xf32, #tpu.memory_space<vmem_shared>>) target(%dma_start3A_365 : memref<80x128xf32, #tpu.memory_space<vmem>>) offsets(%dma_start3A_368 : memref<80xi32, #tpu.memory_space<vmem>>) semaphore(%arg10 : memref<!tpu.dma_semaphore, #tpu.memory_space<semaphore_mem>>)
      %dma_wait3A_372 = arith.constant 0 : i32
      %dma_wait3A_373 = arith.constant 0 : i32
      %dma_wait3A_374 = arith.constant 0 : i32
      %dma_wait3A_375 = tpu.memref_slice %arg7[%dma_wait3A_372, %dma_wait3A_373, %dma_wait3A_374] : memref<2x160x128xf32, #tpu.memory_space<vmem>> -> memref<1x160x128xf32, #tpu.memory_space<vmem>>
      %dma_wait3A_376 = tpu.memref_squeeze %dma_wait3A_375 : memref<1x160x128xf32, #tpu.memory_space<vmem>> -> memref<160x128xf32, #tpu.memory_space<vmem>>
      %dma_wait3A_377 = arith.constant 0 : i32
      %dma_wait3A_378 = arith.constant 0 : i32
      %dma_wait3A_379 = tpu.memref_slice %arg3[%dma_wait3A_377, %dma_wait3A_378] : memref<10000x128xf32, #tpu.memory_space<hbm>> -> memref<160x128xf32, #tpu.memory_space<hbm>>
      %dma_wait3A_380 = arith.constant 0 : i32
      %dma_wait3A_381 = arith.constant 0 : i32
      %dma_wait3A_382 = tpu.memref_slice %arg7[%dma_wait3A_372, %dma_wait3A_380, %dma_wait3A_381] : memref<2x160x128xf32, #tpu.memory_space<vmem>> -> memref<1x160x128xf32, #tpu.memory_space<vmem>>
      %dma_wait3A_383 = tpu.memref_squeeze %dma_wait3A_382 : memref<1x160x128xf32, #tpu.memory_space<vmem>> -> memref<160x128xf32, #tpu.memory_space<vmem>>
      %dma_wait3A_384 = arith.constant 0 : i32
      %dma_wait3A_385 = arith.constant 0 : i32
      %dma_wait3A_386 = tpu.memref_slice %arg3[%dma_wait3A_384, %dma_wait3A_385] : memref<10000x128xf32, #tpu.memory_space<hbm>> -> memref<160x128xf32, #tpu.memory_space<hbm>>
      tpu.wait_dma2 semaphore(%arg9 : memref<!tpu.dma_semaphore, #tpu.memory_space<semaphore_mem>>) src(%dma_wait3A_386 : memref<160x128xf32, #tpu.memory_space<hbm>>) dst(%dma_wait3A_383 : memref<160x128xf32, #tpu.memory_space<vmem>>)
      %mul3A_387 = arith.constant 80 : i32
      %mul3A_388 = arith.muli %mul3A_195, %mul3A_387 : i32
      %add3A_389 = arith.addi %mul3A_2, %mul3A_388 : i32
      %run_scoped3A_390 = arith.constant 0 : i32
      "tpu.region"() ({
        %run_scoped3A_590 = tpu.sem_alloc : memref<!tpu.dma_semaphore, #tpu.memory_space<semaphore_mem>>
        %dma_start3A_591 = arith.constant 0 : i32
        %dma_start3A_592 = arith.constant 0 : i32
        %dma_start3A_593 = tpu.memref_slice %arg7[%run_scoped3A_390, %dma_start3A_591, %dma_start3A_592] : memref<2x160x128xf32, #tpu.memory_space<vmem>> -> memref<1x80x128xf32, #tpu.memory_space<vmem>>
        %dma_start3A_594 = tpu.memref_squeeze %dma_start3A_593 : memref<1x80x128xf32, #tpu.memory_space<vmem>> -> memref<80x128xf32, #tpu.memory_space<vmem>>
        %dma_start3A_595 = arith.constant 0 : i32
        %dma_start3A_596 = tpu.memref_slice %arg4[%add3A_389, %dma_start3A_595] : memref<320000x256xf32, #tpu.memory_space<hbm>> -> memref<80x128xf32, #tpu.memory_space<hbm>>
        %dma_start3A_597 = arith.constant 0 : i32
        %dma_start3A_598 = tpu.memref_slice %arg4[%add3A_389, %dma_start3A_597] : memref<320000x256xf32, #tpu.memory_space<hbm>> -> memref<80x128xf32, #tpu.memory_space<hbm>>
        %dma_start3A_599 = arith.constant 0 : i32
        %dma_start3A_600 = arith.constant 0 : i32
        %dma_start3A_601 = tpu.memref_slice %arg7[%run_scoped3A_390, %dma_start3A_599, %dma_start3A_600] : memref<2x160x128xf32, #tpu.memory_space<vmem>> -> memref<1x80x128xf32, #tpu.memory_space<vmem>>
        %dma_start3A_602 = tpu.memref_squeeze %dma_start3A_601 : memref<1x80x128xf32, #tpu.memory_space<vmem>> -> memref<80x128xf32, #tpu.memory_space<vmem>>
        tpu.enqueue_dma source(%dma_start3A_602 : memref<80x128xf32, #tpu.memory_space<vmem>>) target(%dma_start3A_598 : memref<80x128xf32, #tpu.memory_space<hbm>>) target_semaphore(%run_scoped3A_590 : memref<!tpu.dma_semaphore, #tpu.memory_space<semaphore_mem>>)
        %dma_wait3A_603 = arith.constant 0 : i32
        %dma_wait3A_604 = arith.constant 0 : i32
        %dma_wait3A_605 = tpu.memref_slice %arg7[%run_scoped3A_390, %dma_wait3A_603, %dma_wait3A_604] : memref<2x160x128xf32, #tpu.memory_space<vmem>> -> memref<1x80x128xf32, #tpu.memory_space<vmem>>
        %dma_wait3A_606 = tpu.memref_squeeze %dma_wait3A_605 : memref<1x80x128xf32, #tpu.memory_space<vmem>> -> memref<80x128xf32, #tpu.memory_space<vmem>>
        %dma_wait3A_607 = arith.constant 0 : i32
        %dma_wait3A_608 = tpu.memref_slice %arg4[%add3A_389, %dma_wait3A_607] : memref<320000x256xf32, #tpu.memory_space<hbm>> -> memref<80x128xf32, #tpu.memory_space<hbm>>
        %dma_wait3A_609 = arith.constant 0 : i32
        %dma_wait3A_610 = tpu.memref_slice %arg4[%add3A_389, %dma_wait3A_609] : memref<320000x256xf32, #tpu.memory_space<hbm>> -> memref<80x128xf32, #tpu.memory_space<hbm>>
        %dma_wait3A_611 = arith.constant 0 : i32
        %dma_wait3A_612 = arith.constant 0 : i32
        %dma_wait3A_613 = tpu.memref_slice %arg7[%run_scoped3A_390, %dma_wait3A_611, %dma_wait3A_612] : memref<2x160x128xf32, #tpu.memory_space<vmem>> -> memref<1x80x128xf32, #tpu.memory_space<vmem>>
        %dma_wait3A_614 = tpu.memref_squeeze %dma_wait3A_613 : memref<1x80x128xf32, #tpu.memory_space<vmem>> -> memref<80x128xf32, #tpu.memory_space<vmem>>
        tpu.wait_dma2 semaphore(%run_scoped3A_590 : memref<!tpu.dma_semaphore, #tpu.memory_space<semaphore_mem>>) src(%dma_wait3A_614 : memref<80x128xf32, #tpu.memory_space<vmem>>) dst(%dma_wait3A_610 : memref<80x128xf32, #tpu.memory_space<hbm>>)
        tpu.yield
      }) : () -> ()
      %run_scoped3A_391 = arith.constant 0 : i32
      "tpu.region"() ({
        %run_scoped3A_590 = tpu.sem_alloc : memref<!tpu.dma_semaphore, #tpu.memory_space<semaphore_mem>>
        %dma_start3A_591 = arith.constant 80 : i32
        %dma_start3A_592 = arith.constant 0 : i32
        %dma_start3A_593 = tpu.memref_slice %arg7[%run_scoped3A_391, %dma_start3A_591, %dma_start3A_592] : memref<2x160x128xf32, #tpu.memory_space<vmem>> -> memref<1x80x128xf32, #tpu.memory_space<vmem>>
        %dma_start3A_594 = tpu.memref_squeeze %dma_start3A_593 : memref<1x80x128xf32, #tpu.memory_space<vmem>> -> memref<80x128xf32, #tpu.memory_space<vmem>>
        %dma_start3A_595 = arith.constant 128 : i32
        %dma_start3A_596 = tpu.memref_slice %arg4[%add3A_389, %dma_start3A_595] : memref<320000x256xf32, #tpu.memory_space<hbm>> -> memref<80x128xf32, #tpu.memory_space<hbm>>
        %dma_start3A_597 = arith.constant 128 : i32
        %dma_start3A_598 = tpu.memref_slice %arg4[%add3A_389, %dma_start3A_597] : memref<320000x256xf32, #tpu.memory_space<hbm>> -> memref<80x128xf32, #tpu.memory_space<hbm>>
        %dma_start3A_599 = arith.constant 80 : i32
        %dma_start3A_600 = arith.constant 0 : i32
        %dma_start3A_601 = tpu.memref_slice %arg7[%run_scoped3A_391, %dma_start3A_599, %dma_start3A_600] : memref<2x160x128xf32, #tpu.memory_space<vmem>> -> memref<1x80x128xf32, #tpu.memory_space<vmem>>
        %dma_start3A_602 = tpu.memref_squeeze %dma_start3A_601 : memref<1x80x128xf32, #tpu.memory_space<vmem>> -> memref<80x128xf32, #tpu.memory_space<vmem>>
        tpu.enqueue_dma source(%dma_start3A_602 : memref<80x128xf32, #tpu.memory_space<vmem>>) target(%dma_start3A_598 : memref<80x128xf32, #tpu.memory_space<hbm>>) target_semaphore(%run_scoped3A_590 : memref<!tpu.dma_semaphore, #tpu.memory_space<semaphore_mem>>)
        %dma_wait3A_603 = arith.constant 80 : i32
        %dma_wait3A_604 = arith.constant 0 : i32
        %dma_wait3A_605 = tpu.memref_slice %arg7[%run_scoped3A_391, %dma_wait3A_603, %dma_wait3A_604] : memref<2x160x128xf32, #tpu.memory_space<vmem>> -> memref<1x80x128xf32, #tpu.memory_space<vmem>>
        %dma_wait3A_606 = tpu.memref_squeeze %dma_wait3A_605 : memref<1x80x128xf32, #tpu.memory_space<vmem>> -> memref<80x128xf32, #tpu.memory_space<vmem>>
        %dma_wait3A_607 = arith.constant 128 : i32
        %dma_wait3A_608 = tpu.memref_slice %arg4[%add3A_389, %dma_wait3A_607] : memref<320000x256xf32, #tpu.memory_space<hbm>> -> memref<80x128xf32, #tpu.memory_space<hbm>>
        %dma_wait3A_609 = arith.constant 128 : i32
        %dma_wait3A_610 = tpu.memref_slice %arg4[%add3A_389, %dma_wait3A_609] : memref<320000x256xf32, #tpu.memory_space<hbm>> -> memref<80x128xf32, #tpu.memory_space<hbm>>
        %dma_wait3A_611 = arith.constant 80 : i32
        %dma_wait3A_612 = arith.constant 0 : i32
        %dma_wait3A_613 = tpu.memref_slice %arg7[%run_scoped3A_391, %dma_wait3A_611, %dma_wait3A_612] : memref<2x160x128xf32, #tpu.memory_space<vmem>> -> memref<1x80x128xf32, #tpu.memory_space<vmem>>
        %dma_wait3A_614 = tpu.memref_squeeze %dma_wait3A_613 : memref<1x80x128xf32, #tpu.memory_space<vmem>> -> memref<80x128xf32, #tpu.memory_space<vmem>>
        tpu.wait_dma2 semaphore(%run_scoped3A_590 : memref<!tpu.dma_semaphore, #tpu.memory_space<semaphore_mem>>) src(%dma_wait3A_614 : memref<80x128xf32, #tpu.memory_space<vmem>>) dst(%dma_wait3A_610 : memref<80x128xf32, #tpu.memory_space<hbm>>)
        tpu.yield
      }) : () -> ()
      %add3A_392 = arith.constant 2 : i32
      %add3A_393 = arith.addi %mul3A_195, %add3A_392 : i32
      %rem3A_394 = arith.constant 25 : i32
      %rem3A_395 = arith.remsi %add3A_393, %rem3A_394 : i32
      %eq3A_396 = arith.constant 0 : i32
      %eq3A_397 = arith.cmpi eq, %rem3A_395, %eq3A_396 : i32
      %convert_element_type3A_398 = arith.extui %eq3A_397 : i1 to i32
      %cond3A_399 = arith.constant 0 : i32
      %cond3A_400 = arith.cmpi ne, %convert_element_type3A_398, %cond3A_399 : i32
      scf.if %cond3A_400 {
        %jit3A = arith.constant 25 : i32
        %div3A = arith.divsi %add3A_393, %jit3A : i32
        %sign3A = arith.constant 0 : i32
        %sign3A_590 = arith.cmpi sgt, %add3A_393, %sign3A : i32
        %sign3A_591 = arith.extui %sign3A_590 : i1 to i32
        %sign3A_592 = arith.constant 0 : i32
        %sign3A_593 = arith.cmpi slt, %add3A_393, %sign3A_592 : i32
        %sign3A_594 = arith.extui %sign3A_593 : i1 to i32
        %sign3A_595 = arith.subi %sign3A_591, %sign3A_594 : i32
        %sign3A_596 = arith.constant 0 : i32
        %sign3A_597 = arith.cmpi sgt, %jit3A, %sign3A_596 : i32
        %sign3A_598 = arith.extui %sign3A_597 : i1 to i32
        %sign3A_599 = arith.constant 0 : i32
        %sign3A_600 = arith.cmpi slt, %jit3A, %sign3A_599 : i32
        %sign3A_601 = arith.extui %sign3A_600 : i1 to i32
        %sign3A_602 = arith.subi %sign3A_598, %sign3A_601 : i32
        %ne3A = arith.cmpi ne, %sign3A_595, %sign3A_602 : i32
        %rem3A_603 = arith.remsi %add3A_393, %jit3A : i32
        %ne3A_604 = arith.constant 0 : i32
        %ne3A_605 = arith.cmpi ne, %rem3A_603, %ne3A_604 : i32
        %and3A_606 = arith.andi %ne3A, %ne3A_605 : i1
        %sub3A = arith.constant 1 : i32
        %sub3A_607 = arith.subi %div3A, %sub3A : i32
        %select_n3A = arith.select %and3A_606, %sub3A_607, %div3A : i32
        %mul3A_608 = arith.constant 2000 : i32
        %mul3A_609 = arith.muli %select_n3A, %mul3A_608 : i32
        %add3A_610 = arith.addi %mul3A_2, %mul3A_609 : i32
        "tpu.region"() ({
          %run_scoped3A_611 = tpu.sem_alloc : memref<!tpu.dma_semaphore, #tpu.memory_space<semaphore_mem>>
          %dma_start3A_612 = tpu.memref_slice %arg2[%add3A_610] : memref<320000xi32, #tpu.memory_space<hbm>> -> memref<2000xi32, #tpu.memory_space<hbm>>
          %dma_start3A_613 = tpu.memref_slice %arg2[%add3A_610] : memref<320000xi32, #tpu.memory_space<hbm>> -> memref<2000xi32, #tpu.memory_space<hbm>>
          tpu.enqueue_dma source(%dma_start3A_613 : memref<2000xi32, #tpu.memory_space<hbm>>) target(%arg5 : memref<2000xi32, #tpu.memory_space<vmem>>) target_semaphore(%run_scoped3A_611 : memref<!tpu.dma_semaphore, #tpu.memory_space<semaphore_mem>>)
          %dma_wait3A_614 = tpu.memref_slice %arg2[%add3A_610] : memref<320000xi32, #tpu.memory_space<hbm>> -> memref<2000xi32, #tpu.memory_space<hbm>>
          %dma_wait3A_615 = tpu.memref_slice %arg2[%add3A_610] : memref<320000xi32, #tpu.memory_space<hbm>> -> memref<2000xi32, #tpu.memory_space<hbm>>
          tpu.wait_dma2 semaphore(%run_scoped3A_611 : memref<!tpu.dma_semaphore, #tpu.memory_space<semaphore_mem>>) src(%dma_wait3A_615 : memref<2000xi32, #tpu.memory_space<hbm>>) dst(%arg5 : memref<2000xi32, #tpu.memory_space<vmem>>)
          tpu.yield
        }) : () -> ()
      } else {
      }
      %add3A_401 = arith.constant 2 : i32
      %add3A_402 = arith.addi %mul3A_195, %add3A_401 : i32
      %mul3A_403 = arith.constant 80 : i32
      %mul3A_404 = arith.muli %add3A_402, %mul3A_403 : i32
      %rem3A_405 = arith.constant 2000 : i32
      %rem3A_406 = arith.remsi %mul3A_404, %rem3A_405 : i32
      %add3A_407 = arith.constant 0 : i32
      %add3A_408 = arith.addi %rem3A_406, %add3A_407 : i32
      %get3A_409 = arith.index_cast %add3A_408 : i32 to index
      %get3A_410 = tpu.vector_load %arg5[%get3A_409] {strides = array<i32>} : memref<2000xi32, #tpu.memory_space<vmem>>, vector<16xi32>,
      %get3A_411 = vector.shape_cast %get3A_410 : vector<16xi32> to vector<16xi32>
      %and3A_412 = arith.constant 65535 : i32
      %and3A_413 = vector.broadcast %and3A_412 : i32 to vector<16xi32>
      %and3A_414 = arith.andi %get3A_411, %and3A_413 : vector<16xi32>
      %swap3A_415 = arith.constant 0 : i32
      %swap3A_416 = arith.constant 0 : i32
      %swap3A_417 = arith.index_cast %swap3A_415 : i32 to index
      %swap3A_418 = arith.index_cast %swap3A_416 : i32 to index
      %swap3A_419 = arith.constant 0 : index
      %swap3A_420 = tpu.vector_load %arg6[%swap3A_417, %swap3A_418, %swap3A_419] {strides = array<i32>} : memref<2x2x80xi32, #tpu.memory_space<vmem>>, vector<1x1x16xi32>,
      %swap3A_421 = vector.shape_cast %swap3A_420 : vector<1x1x16xi32> to vector<16xi32>
      %swap3A_422 = vector.shape_cast %and3A_414 : vector<16xi32> to vector<1x1x16xi32>
      tpu.vector_store %arg6[%swap3A_417, %swap3A_418, %swap3A_419], %swap3A_422 {strides = array<i32>} : memref<2x2x80xi32, #tpu.memory_space<vmem>>, vector<1x1x16xi32>,
      %shift_right_logical3A_423 = arith.constant 16 : i32
      %shift_right_logical3A_424 = vector.broadcast %shift_right_logical3A_423 : i32 to vector<16xi32>
      %shift_right_logical3A_425 = arith.shrui %get3A_411, %shift_right_logical3A_424 : vector<16xi32>
      %swap3A_426 = arith.constant 0 : i32
      %swap3A_427 = arith.constant 1 : i32
      %swap3A_428 = arith.index_cast %swap3A_426 : i32 to index
      %swap3A_429 = arith.index_cast %swap3A_427 : i32 to index
      %swap3A_430 = arith.constant 0 : index
      %swap3A_431 = tpu.vector_load %arg6[%swap3A_428, %swap3A_429, %swap3A_430] {strides = array<i32>} : memref<2x2x80xi32, #tpu.memory_space<vmem>>, vector<1x1x16xi32>,
      %swap3A_432 = vector.shape_cast %swap3A_431 : vector<1x1x16xi32> to vector<16xi32>
      %swap3A_433 = vector.shape_cast %shift_right_logical3A_425 : vector<16xi32> to vector<1x1x16xi32>
      tpu.vector_store %arg6[%swap3A_428, %swap3A_429, %swap3A_430], %swap3A_433 {strides = array<i32>} : memref<2x2x80xi32, #tpu.memory_space<vmem>>, vector<1x1x16xi32>,
      %add3A_434 = arith.constant 16 : i32
      %add3A_435 = arith.addi %rem3A_406, %add3A_434 : i32
      %get3A_436 = arith.index_cast %add3A_435 : i32 to index
      %get3A_437 = tpu.vector_load %arg5[%get3A_436] {strides = array<i32>} : memref<2000xi32, #tpu.memory_space<vmem>>, vector<16xi32>,
      %get3A_438 = vector.shape_cast %get3A_437 : vector<16xi32> to vector<16xi32>
      %and3A_439 = arith.constant 65535 : i32
      %and3A_440 = vector.broadcast %and3A_439 : i32 to vector<16xi32>
      %and3A_441 = arith.andi %get3A_438, %and3A_440 : vector<16xi32>
      %swap3A_442 = arith.constant 0 : i32
      %swap3A_443 = arith.constant 0 : i32
      %swap3A_444 = arith.index_cast %swap3A_442 : i32 to index
      %swap3A_445 = arith.index_cast %swap3A_443 : i32 to index
      %swap3A_446 = arith.constant 16 : index
      %swap3A_447 = tpu.vector_load %arg6[%swap3A_444, %swap3A_445, %swap3A_446] {strides = array<i32>} : memref<2x2x80xi32, #tpu.memory_space<vmem>>, vector<1x1x16xi32>,
      %swap3A_448 = vector.shape_cast %swap3A_447 : vector<1x1x16xi32> to vector<16xi32>
      %swap3A_449 = vector.shape_cast %and3A_441 : vector<16xi32> to vector<1x1x16xi32>
      tpu.vector_store %arg6[%swap3A_444, %swap3A_445, %swap3A_446], %swap3A_449 {strides = array<i32>} : memref<2x2x80xi32, #tpu.memory_space<vmem>>, vector<1x1x16xi32>,
      %shift_right_logical3A_450 = arith.constant 16 : i32
      %shift_right_logical3A_451 = vector.broadcast %shift_right_logical3A_450 : i32 to vector<16xi32>
      %shift_right_logical3A_452 = arith.shrui %get3A_438, %shift_right_logical3A_451 : vector<16xi32>
      %swap3A_453 = arith.constant 0 : i32
      %swap3A_454 = arith.constant 1 : i32
      %swap3A_455 = arith.index_cast %swap3A_453 : i32 to index
      %swap3A_456 = arith.index_cast %swap3A_454 : i32 to index
      %swap3A_457 = arith.constant 16 : index
      %swap3A_458 = tpu.vector_load %arg6[%swap3A_455, %swap3A_456, %swap3A_457] {strides = array<i32>} : memref<2x2x80xi32, #tpu.memory_space<vmem>>, vector<1x1x16xi32>,
      %swap3A_459 = vector.shape_cast %swap3A_458 : vector<1x1x16xi32> to vector<16xi32>
      %swap3A_460 = vector.shape_cast %shift_right_logical3A_452 : vector<16xi32> to vector<1x1x16xi32>
      tpu.vector_store %arg6[%swap3A_455, %swap3A_456, %swap3A_457], %swap3A_460 {strides = array<i32>} : memref<2x2x80xi32, #tpu.memory_space<vmem>>, vector<1x1x16xi32>,
      %add3A_461 = arith.constant 32 : i32
      %add3A_462 = arith.addi %rem3A_406, %add3A_461 : i32
      %get3A_463 = arith.index_cast %add3A_462 : i32 to index
      %get3A_464 = tpu.vector_load %arg5[%get3A_463] {strides = array<i32>} : memref<2000xi32, #tpu.memory_space<vmem>>, vector<16xi32>,
      %get3A_465 = vector.shape_cast %get3A_464 : vector<16xi32> to vector<16xi32>
      %and3A_466 = arith.constant 65535 : i32
      %and3A_467 = vector.broadcast %and3A_466 : i32 to vector<16xi32>
      %and3A_468 = arith.andi %get3A_465, %and3A_467 : vector<16xi32>
      %swap3A_469 = arith.constant 0 : i32
      %swap3A_470 = arith.constant 0 : i32
      %swap3A_471 = arith.index_cast %swap3A_469 : i32 to index
      %swap3A_472 = arith.index_cast %swap3A_470 : i32 to index
      %swap3A_473 = arith.constant 32 : index
      %swap3A_474 = tpu.vector_load %arg6[%swap3A_471, %swap3A_472, %swap3A_473] {strides = array<i32>} : memref<2x2x80xi32, #tpu.memory_space<vmem>>, vector<1x1x16xi32>,
      %swap3A_475 = vector.shape_cast %swap3A_474 : vector<1x1x16xi32> to vector<16xi32>
      %swap3A_476 = vector.shape_cast %and3A_468 : vector<16xi32> to vector<1x1x16xi32>
      tpu.vector_store %arg6[%swap3A_471, %swap3A_472, %swap3A_473], %swap3A_476 {strides = array<i32>} : memref<2x2x80xi32, #tpu.memory_space<vmem>>, vector<1x1x16xi32>,
      %shift_right_logical3A_477 = arith.constant 16 : i32
      %shift_right_logical3A_478 = vector.broadcast %shift_right_logical3A_477 : i32 to vector<16xi32>
      %shift_right_logical3A_479 = arith.shrui %get3A_465, %shift_right_logical3A_478 : vector<16xi32>
      %swap3A_480 = arith.constant 0 : i32
      %swap3A_481 = arith.constant 1 : i32
      %swap3A_482 = arith.index_cast %swap3A_480 : i32 to index
      %swap3A_483 = arith.index_cast %swap3A_481 : i32 to index
      %swap3A_484 = arith.constant 32 : index
      %swap3A_485 = tpu.vector_load %arg6[%swap3A_482, %swap3A_483, %swap3A_484] {strides = array<i32>} : memref<2x2x80xi32, #tpu.memory_space<vmem>>, vector<1x1x16xi32>,
      %swap3A_486 = vector.shape_cast %swap3A_485 : vector<1x1x16xi32> to vector<16xi32>
      %swap3A_487 = vector.shape_cast %shift_right_logical3A_479 : vector<16xi32> to vector<1x1x16xi32>
      tpu.vector_store %arg6[%swap3A_482, %swap3A_483, %swap3A_484], %swap3A_487 {strides = array<i32>} : memref<2x2x80xi32, #tpu.memory_space<vmem>>, vector<1x1x16xi32>,
      %add3A_488 = arith.constant 48 : i32
      %add3A_489 = arith.addi %rem3A_406, %add3A_488 : i32
      %get3A_490 = arith.index_cast %add3A_489 : i32 to index
      %get3A_491 = tpu.vector_load %arg5[%get3A_490] {strides = array<i32>} : memref<2000xi32, #tpu.memory_space<vmem>>, vector<16xi32>,
      %get3A_492 = vector.shape_cast %get3A_491 : vector<16xi32> to vector<16xi32>
      %and3A_493 = arith.constant 65535 : i32
      %and3A_494 = vector.broadcast %and3A_493 : i32 to vector<16xi32>
      %and3A_495 = arith.andi %get3A_492, %and3A_494 : vector<16xi32>
      %swap3A_496 = arith.constant 0 : i32
      %swap3A_497 = arith.constant 0 : i32
      %swap3A_498 = arith.index_cast %swap3A_496 : i32 to index
      %swap3A_499 = arith.index_cast %swap3A_497 : i32 to index
      %swap3A_500 = arith.constant 48 : index
      %swap3A_501 = tpu.vector_load %arg6[%swap3A_498, %swap3A_499, %swap3A_500] {strides = array<i32>} : memref<2x2x80xi32, #tpu.memory_space<vmem>>, vector<1x1x16xi32>,
      %swap3A_502 = vector.shape_cast %swap3A_501 : vector<1x1x16xi32> to vector<16xi32>
      %swap3A_503 = vector.shape_cast %and3A_495 : vector<16xi32> to vector<1x1x16xi32>
      tpu.vector_store %arg6[%swap3A_498, %swap3A_499, %swap3A_500], %swap3A_503 {strides = array<i32>} : memref<2x2x80xi32, #tpu.memory_space<vmem>>, vector<1x1x16xi32>,
      %shift_right_logical3A_504 = arith.constant 16 : i32
      %shift_right_logical3A_505 = vector.broadcast %shift_right_logical3A_504 : i32 to vector<16xi32>
      %shift_right_logical3A_506 = arith.shrui %get3A_492, %shift_right_logical3A_505 : vector<16xi32>
      %swap3A_507 = arith.constant 0 : i32
      %swap3A_508 = arith.constant 1 : i32
      %swap3A_509 = arith.index_cast %swap3A_507 : i32 to index
      %swap3A_510 = arith.index_cast %swap3A_508 : i32 to index
      %swap3A_511 = arith.constant 48 : index
      %swap3A_512 = tpu.vector_load %arg6[%swap3A_509, %swap3A_510, %swap3A_511] {strides = array<i32>} : memref<2x2x80xi32, #tpu.memory_space<vmem>>, vector<1x1x16xi32>,
      %swap3A_513 = vector.shape_cast %swap3A_512 : vector<1x1x16xi32> to vector<16xi32>
      %swap3A_514 = vector.shape_cast %shift_right_logical3A_506 : vector<16xi32> to vector<1x1x16xi32>
      tpu.vector_store %arg6[%swap3A_509, %swap3A_510, %swap3A_511], %swap3A_514 {strides = array<i32>} : memref<2x2x80xi32, #tpu.memory_space<vmem>>, vector<1x1x16xi32>,
      %add3A_515 = arith.constant 64 : i32
      %add3A_516 = arith.addi %rem3A_406, %add3A_515 : i32
      %get3A_517 = arith.index_cast %add3A_516 : i32 to index
      %get3A_518 = tpu.vector_load %arg5[%get3A_517] {strides = array<i32>} : memref<2000xi32, #tpu.memory_space<vmem>>, vector<16xi32>,
      %get3A_519 = vector.shape_cast %get3A_518 : vector<16xi32> to vector<16xi32>
      %and3A_520 = arith.constant 65535 : i32
      %and3A_521 = vector.broadcast %and3A_520 : i32 to vector<16xi32>
      %and3A_522 = arith.andi %get3A_519, %and3A_521 : vector<16xi32>
      %swap3A_523 = arith.constant 0 : i32
      %swap3A_524 = arith.constant 0 : i32
      %swap3A_525 = arith.index_cast %swap3A_523 : i32 to index
      %swap3A_526 = arith.index_cast %swap3A_524 : i32 to index
      %swap3A_527 = arith.constant 64 : index
      %swap3A_528 = tpu.vector_load %arg6[%swap3A_525, %swap3A_526, %swap3A_527] {strides = array<i32>} : memref<2x2x80xi32, #tpu.memory_space<vmem>>, vector<1x1x16xi32>,
      %swap3A_529 = vector.shape_cast %swap3A_528 : vector<1x1x16xi32> to vector<16xi32>
      %swap3A_530 = vector.shape_cast %and3A_522 : vector<16xi32> to vector<1x1x16xi32>
      tpu.vector_store %arg6[%swap3A_525, %swap3A_526, %swap3A_527], %swap3A_530 {strides = array<i32>} : memref<2x2x80xi32, #tpu.memory_space<vmem>>, vector<1x1x16xi32>,
      %shift_right_logical3A_531 = arith.constant 16 : i32
      %shift_right_logical3A_532 = vector.broadcast %shift_right_logical3A_531 : i32 to vector<16xi32>
      %shift_right_logical3A_533 = arith.shrui %get3A_519, %shift_right_logical3A_532 : vector<16xi32>
      %swap3A_534 = arith.constant 0 : i32
      %swap3A_535 = arith.constant 1 : i32
      %swap3A_536 = arith.index_cast %swap3A_534 : i32 to index
      %swap3A_537 = arith.index_cast %swap3A_535 : i32 to index
      %swap3A_538 = arith.constant 64 : index
      %swap3A_539 = tpu.vector_load %arg6[%swap3A_536, %swap3A_537, %swap3A_538] {strides = array<i32>} : memref<2x2x80xi32, #tpu.memory_space<vmem>>, vector<1x1x16xi32>,
      %swap3A_540 = vector.shape_cast %swap3A_539 : vector<1x1x16xi32> to vector<16xi32>
      %swap3A_541 = vector.shape_cast %shift_right_logical3A_533 : vector<16xi32> to vector<1x1x16xi32>
      tpu.vector_store %arg6[%swap3A_536, %swap3A_537, %swap3A_538], %swap3A_541 {strides = array<i32>} : memref<2x2x80xi32, #tpu.memory_space<vmem>>, vector<1x1x16xi32>,
      %dma_start3A_542 = arith.constant 0 : i32
      %dma_start3A_543 = arith.constant 0 : i32
      %dma_start3A_544 = arith.constant 0 : i32
      %dma_start3A_545 = arith.constant 0 : i32
      %dma_start3A_546 = arith.constant 0 : i32
      %dma_start3A_547 = tpu.memref_slice %arg7[%dma_start3A_544, %dma_start3A_545, %dma_start3A_546] : memref<2x160x128xf32, #tpu.memory_space<vmem>> -> memref<1x80x128xf32, #tpu.memory_space<vmem>>
      %dma_start3A_548 = tpu.memref_squeeze %dma_start3A_547 : memref<1x80x128xf32, #tpu.memory_space<vmem>> -> memref<80x128xf32, #tpu.memory_space<vmem>>
      %dma_start3A_549 = arith.constant 0 : i32
      %dma_start3A_550 = tpu.memref_slice %arg6[%dma_start3A_542, %dma_start3A_543, %dma_start3A_549] : memref<2x2x80xi32, #tpu.memory_space<vmem>> -> memref<1x1x80xi32, #tpu.memory_space<vmem>>
      %dma_start3A_551 = tpu.memref_squeeze %dma_start3A_550 : memref<1x1x80xi32, #tpu.memory_space<vmem>> -> memref<80xi32, #tpu.memory_space<vmem>>
      %dma_start3A_552 = arith.constant 0 : i32
      %dma_start3A_553 = arith.constant 0 : i32
      %dma_start3A_554 = tpu.memref_slice %arg8[%dma_start3A_552, %dma_start3A_553] : memref<10000x128xf32, #tpu.memory_space<vmem_shared>> -> memref<10000x128xf32, #tpu.memory_space<vmem_shared>>
      tpu.enqueue_indirect_dma source(%dma_start3A_554 : memref<10000x128xf32, #tpu.memory_space<vmem_shared>>) target(%dma_start3A_548 : memref<80x128xf32, #tpu.memory_space<vmem>>) offsets(%dma_start3A_551 : memref<80xi32, #tpu.memory_space<vmem>>) semaphore(%arg9 : memref<!tpu.dma_semaphore, #tpu.memory_space<semaphore_mem>>)
      %dma_start3A_555 = arith.constant 0 : i32
      %dma_start3A_556 = arith.constant 1 : i32
      %dma_start3A_557 = arith.constant 0 : i32
      %dma_start3A_558 = arith.constant 80 : i32
      %dma_start3A_559 = arith.constant 0 : i32
      %dma_start3A_560 = tpu.memref_slice %arg7[%dma_start3A_557, %dma_start3A_558, %dma_start3A_559] : memref<2x160x128xf32, #tpu.memory_space<vmem>> -> memref<1x80x128xf32, #tpu.memory_space<vmem>>
      %dma_start3A_561 = tpu.memref_squeeze %dma_start3A_560 : memref<1x80x128xf32, #tpu.memory_space<vmem>> -> memref<80x128xf32, #tpu.memory_space<vmem>>
      %dma_start3A_562 = arith.constant 0 : i32
      %dma_start3A_563 = tpu.memref_slice %arg6[%dma_start3A_555, %dma_start3A_556, %dma_start3A_562] : memref<2x2x80xi32, #tpu.memory_space<vmem>> -> memref<1x1x80xi32, #tpu.memory_space<vmem>>
      %dma_start3A_564 = tpu.memref_squeeze %dma_start3A_563 : memref<1x1x80xi32, #tpu.memory_space<vmem>> -> memref<80xi32, #tpu.memory_space<vmem>>
      %dma_start3A_565 = arith.constant 0 : i32
      %dma_start3A_566 = arith.constant 0 : i32
      %dma_start3A_567 = tpu.memref_slice %arg8[%dma_start3A_565, %dma_start3A_566] : memref<10000x128xf32, #tpu.memory_space<vmem_shared>> -> memref<10000x128xf32, #tpu.memory_space<vmem_shared>>
      tpu.enqueue_indirect_dma source(%dma_start3A_567 : memref<10000x128xf32, #tpu.memory_space<vmem_shared>>) target(%dma_start3A_561 : memref<80x128xf32, #tpu.memory_space<vmem>>) offsets(%dma_start3A_564 : memref<80xi32, #tpu.memory_space<vmem>>) semaphore(%arg9 : memref<!tpu.dma_semaphore, #tpu.memory_space<semaphore_mem>>)
      %dma_wait3A_568 = arith.constant 1 : i32
      %dma_wait3A_569 = arith.constant 0 : i32
      %dma_wait3A_570 = arith.constant 0 : i32
      %dma_wait3A_571 = tpu.memref_slice %arg7[%dma_wait3A_568, %dma_wait3A_569, %dma_wait3A_570] : memref<2x160x128xf32, #tpu.memory_space<vmem>> -> memref<1x160x128xf32, #tpu.memory_space<vmem>>
      %dma_wait3A_572 = tpu.memref_squeeze %dma_wait3A_571 : memref<1x160x128xf32, #tpu.memory_space<vmem>> -> memref<160x128xf32, #tpu.memory_space<vmem>>
      %dma_wait3A_573 = arith.constant 0 : i32
      %dma_wait3A_574 = arith.constant 0 : i32
      %dma_wait3A_575 = tpu.memref_slice %arg3[%dma_wait3A_573, %dma_wait3A_574] : memref<10000x128xf32, #tpu.memory_space<hbm>> -> memref<160x128xf32, #tpu.memory_space<hbm>>
      %dma_wait3A_576 = arith.constant 0 : i32
      %dma_wait3A_577 = arith.constant 0 : i32
      %dma_wait3A_578 = tpu.memref_slice %arg7[%dma_wait3A_568, %dma_wait3A_576, %dma_wait3A_577] : memref<2x160x128xf32, #tpu.memory_space<vmem>> -> memref<1x160x128xf32, #tpu.memory_space<vmem>>
      %dma_wait3A_579 = tpu.memref_squeeze %dma_wait3A_578 : memref<1x160x128xf32, #tpu.memory_space<vmem>> -> memref<160x128xf32, #tpu.memory_space<vmem>>
      %dma_wait3A_580 = arith.constant 0 : i32
      %dma_wait3A_581 = arith.constant 0 : i32
      %dma_wait3A_582 = tpu.memref_slice %arg3[%dma_wait3A_580, %dma_wait3A_581] : memref<10000x128xf32, #tpu.memory_space<hbm>> -> memref<160x128xf32, #tpu.memory_space<hbm>>
      tpu.wait_dma2 semaphore(%arg10 : memref<!tpu.dma_semaphore, #tpu.memory_space<semaphore_mem>>) src(%dma_wait3A_582 : memref<160x128xf32, #tpu.memory_space<hbm>>) dst(%dma_wait3A_579 : memref<160x128xf32, #tpu.memory_space<vmem>>)
      %add3A_583 = arith.constant 1 : i32
      %add3A_584 = arith.addi %mul3A_195, %add3A_583 : i32
      %mul3A_585 = arith.constant 80 : i32
      %mul3A_586 = arith.muli %add3A_584, %mul3A_585 : i32
      %add3A_587 = arith.addi %mul3A_2, %mul3A_586 : i32
      %run_scoped3A_588 = arith.constant 1 : i32
      "tpu.region"() ({
        %run_scoped3A_590 = tpu.sem_alloc : memref<!tpu.dma_semaphore, #tpu.memory_space<semaphore_mem>>
        %dma_start3A_591 = arith.constant 0 : i32
        %dma_start3A_592 = arith.constant 0 : i32
        %dma_start3A_593 = tpu.memref_slice %arg7[%run_scoped3A_588, %dma_start3A_591, %dma_start3A_592] : memref<2x160x128xf32, #tpu.memory_space<vmem>> -> memref<1x80x128xf32, #tpu.memory_space<vmem>>
        %dma_start3A_594 = tpu.memref_squeeze %dma_start3A_593 : memref<1x80x128xf32, #tpu.memory_space<vmem>> -> memref<80x128xf32, #tpu.memory_space<vmem>>
        %dma_start3A_595 = arith.constant 0 : i32
        %dma_start3A_596 = tpu.memref_slice %arg4[%add3A_587, %dma_start3A_595] : memref<320000x256xf32, #tpu.memory_space<hbm>> -> memref<80x128xf32, #tpu.memory_space<hbm>>
        %dma_start3A_597 = arith.constant 0 : i32
        %dma_start3A_598 = tpu.memref_slice %arg4[%add3A_587, %dma_start3A_597] : memref<320000x256xf32, #tpu.memory_space<hbm>> -> memref<80x128xf32, #tpu.memory_space<hbm>>
        %dma_start3A_599 = arith.constant 0 : i32
        %dma_start3A_600 = arith.constant 0 : i32
        %dma_start3A_601 = tpu.memref_slice %arg7[%run_scoped3A_588, %dma_start3A_599, %dma_start3A_600] : memref<2x160x128xf32, #tpu.memory_space<vmem>> -> memref<1x80x128xf32, #tpu.memory_space<vmem>>
        %dma_start3A_602 = tpu.memref_squeeze %dma_start3A_601 : memref<1x80x128xf32, #tpu.memory_space<vmem>> -> memref<80x128xf32, #tpu.memory_space<vmem>>
        tpu.enqueue_dma source(%dma_start3A_602 : memref<80x128xf32, #tpu.memory_space<vmem>>) target(%dma_start3A_598 : memref<80x128xf32, #tpu.memory_space<hbm>>) target_semaphore(%run_scoped3A_590 : memref<!tpu.dma_semaphore, #tpu.memory_space<semaphore_mem>>)
        %dma_wait3A_603 = arith.constant 0 : i32
        %dma_wait3A_604 = arith.constant 0 : i32
        %dma_wait3A_605 = tpu.memref_slice %arg7[%run_scoped3A_588, %dma_wait3A_603, %dma_wait3A_604] : memref<2x160x128xf32, #tpu.memory_space<vmem>> -> memref<1x80x128xf32, #tpu.memory_space<vmem>>
        %dma_wait3A_606 = tpu.memref_squeeze %dma_wait3A_605 : memref<1x80x128xf32, #tpu.memory_space<vmem>> -> memref<80x128xf32, #tpu.memory_space<vmem>>
        %dma_wait3A_607 = arith.constant 0 : i32
        %dma_wait3A_608 = tpu.memref_slice %arg4[%add3A_587, %dma_wait3A_607] : memref<320000x256xf32, #tpu.memory_space<hbm>> -> memref<80x128xf32, #tpu.memory_space<hbm>>
        %dma_wait3A_609 = arith.constant 0 : i32
        %dma_wait3A_610 = tpu.memref_slice %arg4[%add3A_587, %dma_wait3A_609] : memref<320000x256xf32, #tpu.memory_space<hbm>> -> memref<80x128xf32, #tpu.memory_space<hbm>>
        %dma_wait3A_611 = arith.constant 0 : i32
        %dma_wait3A_612 = arith.constant 0 : i32
        %dma_wait3A_613 = tpu.memref_slice %arg7[%run_scoped3A_588, %dma_wait3A_611, %dma_wait3A_612] : memref<2x160x128xf32, #tpu.memory_space<vmem>> -> memref<1x80x128xf32, #tpu.memory_space<vmem>>
        %dma_wait3A_614 = tpu.memref_squeeze %dma_wait3A_613 : memref<1x80x128xf32, #tpu.memory_space<vmem>> -> memref<80x128xf32, #tpu.memory_space<vmem>>
        tpu.wait_dma2 semaphore(%run_scoped3A_590 : memref<!tpu.dma_semaphore, #tpu.memory_space<semaphore_mem>>) src(%dma_wait3A_614 : memref<80x128xf32, #tpu.memory_space<vmem>>) dst(%dma_wait3A_610 : memref<80x128xf32, #tpu.memory_space<hbm>>)
        tpu.yield
      }) : () -> ()
      %run_scoped3A_589 = arith.constant 1 : i32
      "tpu.region"() ({
        %run_scoped3A_590 = tpu.sem_alloc : memref<!tpu.dma_semaphore, #tpu.memory_space<semaphore_mem>>
        %dma_start3A_591 = arith.constant 80 : i32
        %dma_start3A_592 = arith.constant 0 : i32
        %dma_start3A_593 = tpu.memref_slice %arg7[%run_scoped3A_589, %dma_start3A_591, %dma_start3A_592] : memref<2x160x128xf32, #tpu.memory_space<vmem>> -> memref<1x80x128xf32, #tpu.memory_space<vmem>>
        %dma_start3A_594 = tpu.memref_squeeze %dma_start3A_593 : memref<1x80x128xf32, #tpu.memory_space<vmem>> -> memref<80x128xf32, #tpu.memory_space<vmem>>
        %dma_start3A_595 = arith.constant 128 : i32
        %dma_start3A_596 = tpu.memref_slice %arg4[%add3A_587, %dma_start3A_595] : memref<320000x256xf32, #tpu.memory_space<hbm>> -> memref<80x128xf32, #tpu.memory_space<hbm>>
        %dma_start3A_597 = arith.constant 128 : i32
        %dma_start3A_598 = tpu.memref_slice %arg4[%add3A_587, %dma_start3A_597] : memref<320000x256xf32, #tpu.memory_space<hbm>> -> memref<80x128xf32, #tpu.memory_space<hbm>>
        %dma_start3A_599 = arith.constant 80 : i32
        %dma_start3A_600 = arith.constant 0 : i32
        %dma_start3A_601 = tpu.memref_slice %arg7[%run_scoped3A_589, %dma_start3A_599, %dma_start3A_600] : memref<2x160x128xf32, #tpu.memory_space<vmem>> -> memref<1x80x128xf32, #tpu.memory_space<vmem>>
        %dma_start3A_602 = tpu.memref_squeeze %dma_start3A_601 : memref<1x80x128xf32, #tpu.memory_space<vmem>> -> memref<80x128xf32, #tpu.memory_space<vmem>>
        tpu.enqueue_dma source(%dma_start3A_602 : memref<80x128xf32, #tpu.memory_space<vmem>>) target(%dma_start3A_598 : memref<80x128xf32, #tpu.memory_space<hbm>>) target_semaphore(%run_scoped3A_590 : memref<!tpu.dma_semaphore, #tpu.memory_space<semaphore_mem>>)
        %dma_wait3A_603 = arith.constant 80 : i32
        %dma_wait3A_604 = arith.constant 0 : i32
        %dma_wait3A_605 = tpu.memref_slice %arg7[%run_scoped3A_589, %dma_wait3A_603, %dma_wait3A_604] : memref<2x160x128xf32, #tpu.memory_space<vmem>> -> memref<1x80x128xf32, #tpu.memory_space<vmem>>
        %dma_wait3A_606 = tpu.memref_squeeze %dma_wait3A_605 : memref<1x80x128xf32, #tpu.memory_space<vmem>> -> memref<80x128xf32, #tpu.memory_space<vmem>>
        %dma_wait3A_607 = arith.constant 128 : i32
        %dma_wait3A_608 = tpu.memref_slice %arg4[%add3A_587, %dma_wait3A_607] : memref<320000x256xf32, #tpu.memory_space<hbm>> -> memref<80x128xf32, #tpu.memory_space<hbm>>
        %dma_wait3A_609 = arith.constant 128 : i32
        %dma_wait3A_610 = tpu.memref_slice %arg4[%add3A_587, %dma_wait3A_609] : memref<320000x256xf32, #tpu.memory_space<hbm>> -> memref<80x128xf32, #tpu.memory_space<hbm>>
        %dma_wait3A_611 = arith.constant 80 : i32
        %dma_wait3A_612 = arith.constant 0 : i32
        %dma_wait3A_613 = tpu.memref_slice %arg7[%run_scoped3A_589, %dma_wait3A_611, %dma_wait3A_612] : memref<2x160x128xf32, #tpu.memory_space<vmem>> -> memref<1x80x128xf32, #tpu.memory_space<vmem>>
        %dma_wait3A_614 = tpu.memref_squeeze %dma_wait3A_613 : memref<1x80x128xf32, #tpu.memory_space<vmem>> -> memref<80x128xf32, #tpu.memory_space<vmem>>
        tpu.wait_dma2 semaphore(%run_scoped3A_590 : memref<!tpu.dma_semaphore, #tpu.memory_space<semaphore_mem>>) src(%dma_wait3A_614 : memref<80x128xf32, #tpu.memory_space<vmem>>) dst(%dma_wait3A_610 : memref<80x128xf32, #tpu.memory_space<hbm>>)
        tpu.yield
      }) : () -> ()
    }
    %scan3A_175 = arith.constant 62 : i32
    %dma_wait3A = arith.constant 0 : i32
    %dma_wait3A_176 = arith.constant 0 : i32
    %dma_wait3A_177 = arith.constant 0 : i32
    %dma_wait3A_178 = tpu.memref_slice %arg7[%dma_wait3A, %dma_wait3A_176, %dma_wait3A_177] : memref<2x160x128xf32, #tpu.memory_space<vmem>> -> memref<1x160x128xf32, #tpu.memory_space<vmem>>
    %dma_wait3A_179 = tpu.memref_squeeze %dma_wait3A_178 : memref<1x160x128xf32, #tpu.memory_space<vmem>> -> memref<160x128xf32, #tpu.memory_space<vmem>>
    %dma_wait3A_180 = arith.constant 0 : i32
    %dma_wait3A_181 = arith.constant 0 : i32
    %dma_wait3A_182 = tpu.memref_slice %arg3[%dma_wait3A_180, %dma_wait3A_181] : memref<10000x128xf32, #tpu.memory_space<hbm>> -> memref<160x128xf32, #tpu.memory_space<hbm>>
    %dma_wait3A_183 = arith.constant 0 : i32
    %dma_wait3A_184 = arith.constant 0 : i32
    %dma_wait3A_185 = tpu.memref_slice %arg7[%dma_wait3A, %dma_wait3A_183, %dma_wait3A_184] : memref<2x160x128xf32, #tpu.memory_space<vmem>> -> memref<1x160x128xf32, #tpu.memory_space<vmem>>
    %dma_wait3A_186 = tpu.memref_squeeze %dma_wait3A_185 : memref<1x160x128xf32, #tpu.memory_space<vmem>> -> memref<160x128xf32, #tpu.memory_space<vmem>>
    %dma_wait3A_187 = arith.constant 0 : i32
    %dma_wait3A_188 = arith.constant 0 : i32
    %dma_wait3A_189 = tpu.memref_slice %arg3[%dma_wait3A_187, %dma_wait3A_188] : memref<10000x128xf32, #tpu.memory_space<hbm>> -> memref<160x128xf32, #tpu.memory_space<hbm>>
    tpu.wait_dma2 semaphore(%arg9 : memref<!tpu.dma_semaphore, #tpu.memory_space<semaphore_mem>>) src(%dma_wait3A_189 : memref<160x128xf32, #tpu.memory_space<hbm>>) dst(%dma_wait3A_186 : memref<160x128xf32, #tpu.memory_space<vmem>>)
    %add3A_190 = arith.constant 9920 : i32
    %add3A_191 = arith.addi %mul3A_2, %add3A_190 : i32
    %run_scoped3A = arith.constant 0 : i32
    "tpu.region"() ({
      %run_scoped3A_193 = tpu.sem_alloc : memref<!tpu.dma_semaphore, #tpu.memory_space<semaphore_mem>>
      %dma_start3A_194 = arith.constant 0 : i32
      %dma_start3A_195 = arith.constant 0 : i32
      %dma_start3A_196 = tpu.memref_slice %arg7[%run_scoped3A, %dma_start3A_194, %dma_start3A_195] : memref<2x160x128xf32, #tpu.memory_space<vmem>> -> memref<1x80x128xf32, #tpu.memory_space<vmem>>
      %dma_start3A_197 = tpu.memref_squeeze %dma_start3A_196 : memref<1x80x128xf32, #tpu.memory_space<vmem>> -> memref<80x128xf32, #tpu.memory_space<vmem>>
      %dma_start3A_198 = arith.constant 0 : i32
      %dma_start3A_199 = tpu.memref_slice %arg4[%add3A_191, %dma_start3A_198] : memref<320000x256xf32, #tpu.memory_space<hbm>> -> memref<80x128xf32, #tpu.memory_space<hbm>>
      %dma_start3A_200 = arith.constant 0 : i32
      %dma_start3A_201 = tpu.memref_slice %arg4[%add3A_191, %dma_start3A_200] : memref<320000x256xf32, #tpu.memory_space<hbm>> -> memref<80x128xf32, #tpu.memory_space<hbm>>
      %dma_start3A_202 = arith.constant 0 : i32
      %dma_start3A_203 = arith.constant 0 : i32
      %dma_start3A_204 = tpu.memref_slice %arg7[%run_scoped3A, %dma_start3A_202, %dma_start3A_203] : memref<2x160x128xf32, #tpu.memory_space<vmem>> -> memref<1x80x128xf32, #tpu.memory_space<vmem>>
      %dma_start3A_205 = tpu.memref_squeeze %dma_start3A_204 : memref<1x80x128xf32, #tpu.memory_space<vmem>> -> memref<80x128xf32, #tpu.memory_space<vmem>>
      tpu.enqueue_dma source(%dma_start3A_205 : memref<80x128xf32, #tpu.memory_space<vmem>>) target(%dma_start3A_201 : memref<80x128xf32, #tpu.memory_space<hbm>>) target_semaphore(%run_scoped3A_193 : memref<!tpu.dma_semaphore, #tpu.memory_space<semaphore_mem>>)
      %dma_wait3A_206 = arith.constant 0 : i32
      %dma_wait3A_207 = arith.constant 0 : i32
      %dma_wait3A_208 = tpu.memref_slice %arg7[%run_scoped3A, %dma_wait3A_206, %dma_wait3A_207] : memref<2x160x128xf32, #tpu.memory_space<vmem>> -> memref<1x80x128xf32, #tpu.memory_space<vmem>>
      %dma_wait3A_209 = tpu.memref_squeeze %dma_wait3A_208 : memref<1x80x128xf32, #tpu.memory_space<vmem>> -> memref<80x128xf32, #tpu.memory_space<vmem>>
      %dma_wait3A_210 = arith.constant 0 : i32
      %dma_wait3A_211 = tpu.memref_slice %arg4[%add3A_191, %dma_wait3A_210] : memref<320000x256xf32, #tpu.memory_space<hbm>> -> memref<80x128xf32, #tpu.memory_space<hbm>>
      %dma_wait3A_212 = arith.constant 0 : i32
      %dma_wait3A_213 = tpu.memref_slice %arg4[%add3A_191, %dma_wait3A_212] : memref<320000x256xf32, #tpu.memory_space<hbm>> -> memref<80x128xf32, #tpu.memory_space<hbm>>
      %dma_wait3A_214 = arith.constant 0 : i32
      %dma_wait3A_215 = arith.constant 0 : i32
      %dma_wait3A_216 = tpu.memref_slice %arg7[%run_scoped3A, %dma_wait3A_214, %dma_wait3A_215] : memref<2x160x128xf32, #tpu.memory_space<vmem>> -> memref<1x80x128xf32, #tpu.memory_space<vmem>>
      %dma_wait3A_217 = tpu.memref_squeeze %dma_wait3A_216 : memref<1x80x128xf32, #tpu.memory_space<vmem>> -> memref<80x128xf32, #tpu.memory_space<vmem>>
      tpu.wait_dma2 semaphore(%run_scoped3A_193 : memref<!tpu.dma_semaphore, #tpu.memory_space<semaphore_mem>>) src(%dma_wait3A_217 : memref<80x128xf32, #tpu.memory_space<vmem>>) dst(%dma_wait3A_213 : memref<80x128xf32, #tpu.memory_space<hbm>>)
      tpu.yield
    }) : () -> ()
    %run_scoped3A_192 = arith.constant 0 : i32
    "tpu.region"() ({
      %run_scoped3A_193 = tpu.sem_alloc : memref<!tpu.dma_semaphore, #tpu.memory_space<semaphore_mem>>
      %dma_start3A_194 = arith.constant 80 : i32
      %dma_start3A_195 = arith.constant 0 : i32
      %dma_start3A_196 = tpu.memref_slice %arg7[%run_scoped3A_192, %dma_start3A_194, %dma_start3A_195] : memref<2x160x128xf32, #tpu.memory_space<vmem>> -> memref<1x80x128xf32, #tpu.memory_space<vmem>>
      %dma_start3A_197 = tpu.memref_squeeze %dma_start3A_196 : memref<1x80x128xf32, #tpu.memory_space<vmem>> -> memref<80x128xf32, #tpu.memory_space<vmem>>
      %dma_start3A_198 = arith.constant 128 : i32
      %dma_start3A_199 = tpu.memref_slice %arg4[%add3A_191, %dma_start3A_198] : memref<320000x256xf32, #tpu.memory_space<hbm>> -> memref<80x128xf32, #tpu.memory_space<hbm>>
      %dma_start3A_200 = arith.constant 128 : i32
      %dma_start3A_201 = tpu.memref_slice %arg4[%add3A_191, %dma_start3A_200] : memref<320000x256xf32, #tpu.memory_space<hbm>> -> memref<80x128xf32, #tpu.memory_space<hbm>>
      %dma_start3A_202 = arith.constant 80 : i32
      %dma_start3A_203 = arith.constant 0 : i32
      %dma_start3A_204 = tpu.memref_slice %arg7[%run_scoped3A_192, %dma_start3A_202, %dma_start3A_203] : memref<2x160x128xf32, #tpu.memory_space<vmem>> -> memref<1x80x128xf32, #tpu.memory_space<vmem>>
      %dma_start3A_205 = tpu.memref_squeeze %dma_start3A_204 : memref<1x80x128xf32, #tpu.memory_space<vmem>> -> memref<80x128xf32, #tpu.memory_space<vmem>>
      tpu.enqueue_dma source(%dma_start3A_205 : memref<80x128xf32, #tpu.memory_space<vmem>>) target(%dma_start3A_201 : memref<80x128xf32, #tpu.memory_space<hbm>>) target_semaphore(%run_scoped3A_193 : memref<!tpu.dma_semaphore, #tpu.memory_space<semaphore_mem>>)
      %dma_wait3A_206 = arith.constant 80 : i32
      %dma_wait3A_207 = arith.constant 0 : i32
      %dma_wait3A_208 = tpu.memref_slice %arg7[%run_scoped3A_192, %dma_wait3A_206, %dma_wait3A_207] : memref<2x160x128xf32, #tpu.memory_space<vmem>> -> memref<1x80x128xf32, #tpu.memory_space<vmem>>
      %dma_wait3A_209 = tpu.memref_squeeze %dma_wait3A_208 : memref<1x80x128xf32, #tpu.memory_space<vmem>> -> memref<80x128xf32, #tpu.memory_space<vmem>>
      %dma_wait3A_210 = arith.constant 128 : i32
      %dma_wait3A_211 = tpu.memref_slice %arg4[%add3A_191, %dma_wait3A_210] : memref<320000x256xf32, #tpu.memory_space<hbm>> -> memref<80x128xf32, #tpu.memory_space<hbm>>
      %dma_wait3A_212 = arith.constant 128 : i32
      %dma_wait3A_213 = tpu.memref_slice %arg4[%add3A_191, %dma_wait3A_212] : memref<320000x256xf32, #tpu.memory_space<hbm>> -> memref<80x128xf32, #tpu.memory_space<hbm>>
      %dma_wait3A_214 = arith.constant 80 : i32
      %dma_wait3A_215 = arith.constant 0 : i32
      %dma_wait3A_216 = tpu.memref_slice %arg7[%run_scoped3A_192, %dma_wait3A_214, %dma_wait3A_215] : memref<2x160x128xf32, #tpu.memory_space<vmem>> -> memref<1x80x128xf32, #tpu.memory_space<vmem>>
      %dma_wait3A_217 = tpu.memref_squeeze %dma_wait3A_216 : memref<1x80x128xf32, #tpu.memory_space<vmem>> -> memref<80x128xf32, #tpu.memory_space<vmem>>
      tpu.wait_dma2 semaphore(%run_scoped3A_193 : memref<!tpu.dma_semaphore, #tpu.memory_space<semaphore_mem>>) src(%dma_wait3A_217 : memref<80x128xf32, #tpu.memory_space<vmem>>) dst(%dma_wait3A_213 : memref<80x128xf32, #tpu.memory_space<hbm>>)
      tpu.yield
    }) : () -> ()
    return
  }
}

</mosaic_0001>

<sc_bundles>
// kernel: _link_embed.3.cloned.1.call-start
scs
__scs_entry_jumppad:
0x0: {  	(pc) =	sbr.rel $0x88, $3  }
0x1: {  	(tag) =	ssettag $0x0;
	lr =	simm.s32 $0x1  }
0x2: {  	[smem:$0x3F9F] =	sst lr;
	_ =	strace $0xD0000000  }
0x3: {  	_ = 	snop  }
0x4: {  	_ = 	snop  }
0x5: {  	_ = 	snop  }
0x6: {  	_ = 	snop  }
0x7: {  	_ = 	snop  }
__scs_overlays_trampoline_lowered:
0x8: {  	[smem:$0x3FAE] =	sst s0  }
0x9: {  	[smem:$0x3FAF] =	sst s1  }
0xa: {  	[smem:$0x3FB0] =	sst s2  }
0xb: {  	[smem:$0x3FB1] =	sst s3  }
0xc: {  	[smem:$0x3FB2] =	sst s4  }
0xd: {  	[smem:$0x3FB3] =	sst s5  }
0xe: {  	[smem:$0x3FB4] =	sst s6  }
0xf: {  	[smem:$0x3FB5] =	sst s7  }
0x10: {  	[smem:$0x3FB6] =	sst s8  }
0x11: {  	[smem:$0x3FB7] =	sst s9;
	s0 =	simm.s32 @!p0 $0x0  }
0x12: {  	s1 =	sld [smem:$0x3F9D];
	s0 =	simm.s32 @p0 $0x1  }
0x13: {  	[smem:$0x3FB8] =	sst s0;
	s0 =	simm.s32 @!p1 $0x0  }
0x14: {  	s2 =	sld [smem:$0x3F9C];
	s0 =	simm.s32 @p1 $0x1  }
0x15: {  	[smem:$0x3FB9] =	sst s0;
	s0 =	simm.s32 @!p2 $0x0  }
0x16: {  	s3 =	sld [smem:$0x3FDB];
	s0 =	simm.s32 @p2 $0x1  }
0x17: {  	s4 =	simm.s32 $0x1BF5;
	[smem:$0x3FBB] =	sst s0  }
0x18: {  	s0 =	sld [smem:$0x3F9E];
	_ =	swait.ge [sflag:s4], $0x0  }
0x19: {  	s7 =	sld [smem:$0x3F9F]  }
0x1a: {  	s8 =	sadd.s32 $0xFFFFE003, lr  }
0x1b: {  	s9 =	sadd.s32 $0xFFFFFEF7, lr;
	s5 =	simm.s32 $0xFFFFFFFF;
	p2 =	slt.u32 s8, $0xFFFFF086  }
0x1c: {  	p1 =	slt.u32 s9, $0xF7A;
	s5 =	simm.s32 @!p2 $0x0  }
0x1d: {  	s5 =	simm.s32 @p1 $0x1;
	p0 =	seq.s32 s7, s2  }
0x1e: {  	s7 =	smul.u32 @!p0 $0xF7A, s2;
	p2 =	seq.s32 @!p0 s5, $0x0  }
0x1f: {  	s9 =	smul.u32 $0xF7A, s1;
	s8 =	simm.s32 @!p0 $0x1BF5;
	p2 =	por !p2, p0  }
0x20: {  	[sflag:s8] =	ssyncset.s32 @!p0 $0xFFFFF086;
	s6 =	sadd.s32 @!p0 s3, s7;
	s7 =	simm.s32 @!p0 $0x108  }
0x21: {  	s3 =	sadd.s32 s3, s9;
	s6 =	sadd.s32 @!p0 $0x88, s6;
	s7 =	simm.s32 @p2 $0x1082  }
0x22: {  	[simem:s7], [sflag:s8] =	dma.local @!p0 [hbm:s6], $0xF7A  }
0x23: {  	s9 =	sor.u32 $0xD0000000, s2;
	s6 =	simm.s32 $0x108;
	_ =	swait.ge @!p0 [sflag:s8], $0x0  }
0x24: {  	s3 =	sadd.s32 $0x88, s3;
	s6 =	simm.s32 @!p1 $0x1082;
	[sflag:s4] =	ssyncset.s32 $0xFFFFF086  }
0x25: {  	[simem:s6], [sflag:s4] =	dma.local [hbm:s3], $0xF7A  }
0x26: {  	[smem:$0x3F9F] =	sst s1;
	(tag) =	ssettag s2;
	_ =	strace s9  }
0x27: {  	s1 =	sld [smem:$0x3FAF]  }
0x28: {  	s2 =	sld [smem:$0x3FB0]  }
0x29: {  	s4 =	sld [smem:$0x3FB2]  }
0x2a: {  	p0 =	seq.s32 s5, $0x0;
	s5 =	sld [smem:$0x3FB3]  }
0x2b: {  	s6 =	sld [smem:$0x3FB4]  }
0x2c: {  	s7 =	sld [smem:$0x3FB5]  }
0x2d: {  	s3 =	simm.s32 $0x108;
	s8 =	sld [smem:$0x3FB6]  }
0x2e: {  	s3 =	simm.s32 @!p0 $0x1082;
	s9 =	sld [smem:$0x3FB7]  }
0x2f: {  	lr =	sadd.s32 s0, s3;
	s0 =	sld [smem:$0x3FAE]  }
0x30: {  	s3 =	sld [smem:$0x3FB1]  }
0x31: {  	[smem:$0x3FBA] =	sst s10  }
0x32: {  	s10 =	sld [smem:$0x3FB8];
	_ =	sdelay $0x3  }
0x33: {  	p0 =	seq.s32 s10, $0x1;
	s10 =	sld [smem:$0x3FBA];
	_ =	sdelay $0x3  }
0x34: {  	[smem:$0x3FBA] =	sst s10  }
0x35: {  	s10 =	sld [smem:$0x3FB9];
	_ =	sdelay $0x3  }
0x36: {  	p1 =	seq.s32 s10, $0x1;
	s10 =	sld [smem:$0x3FBA];
	_ =	sdelay $0x3  }
0x37: {  	[smem:$0x3FBA] =	sst s10  }
0x38: {  	s10 =	sld [smem:$0x3FBB]  }
0x39: {  	_ = 	snop;
	(pc) =	sbr.ind lr, $3  }
0x3a: {  	_ = 	snop  }
0x3b: {  	_ = 	snop  }
0x3c: {  	p2 =	seq.s32 s10, $0x1;
	s10 =	sld [smem:$0x3FBA]  }
0x3d: {  	_ =	shalt  }
0x3e: {  	_ =	shalt  }
0x3f: {  	_ =	shalt  }
0x40: {  	_ =	shalt  }
0x41: {  	_ =	shalt  }
0x42: {  	_ =	shalt  }
0x43: {  	_ =	shalt  }
0x44: {  	_ =	shalt  }
0x45: {  	_ =	shalt  }
0x46: {  	_ =	shalt  }
0x47: {  	_ =	shalt  }
0x48: {  	_ =	shalt  }
0x49: {  	_ =	shalt  }
0x4a: {  	_ =	shalt  }
0x4b: {  	_ =	shalt  }
0x4c: {  	_ =	shalt  }
0x4d: {  	_ =	shalt  }
0x4e: {  	_ =	shalt  }
0x4f: {  	_ =	shalt  }
0x50: {  	_ =	shalt  }
0x51: {  	_ =	shalt  }
0x52: {  	_ =	shalt  }
0x53: {  	_ =	shalt  }
0x54: {  	_ =	shalt  }
0x55: {  	_ =	shalt  }
0x56: {  	_ =	shalt  }
0x57: {  	_ =	shalt  }
0x58: {  	_ =	shalt  }
0x59: {  	_ =	shalt  }
0x5a: {  	_ =	shalt  }
0x5b: {  	_ =	shalt  }
0x5c: {  	_ =	shalt  }
0x5d: {  	_ =	shalt  }
0x5e: {  	_ =	shalt  }
0x5f: {  	_ =	shalt  }
0x60: {  	_ =	shalt  }
0x61: {  	_ =	shalt  }
0x62: {  	_ =	shalt  }
0x63: {  	_ =	shalt  }
0x64: {  	_ =	shalt  }
0x65: {  	_ =	shalt  }
0x66: {  	_ =	shalt  }
0x67: {  	_ =	shalt  }
0x68: {  	_ =	shalt  }
0x69: {  	_ =	shalt  }
0x6a: {  	_ =	shalt  }
0x6b: {  	_ =	shalt  }
0x6c: {  	_ =	shalt  }
0x6d: {  	_ =	shalt  }
0x6e: {  	_ =	shalt  }
0x6f: {  	_ =	shalt  }
0x70: {  	_ =	shalt  }
0x71: {  	_ =	shalt  }
0x72: {  	_ =	shalt  }
0x73: {  	_ =	shalt  }
0x74: {  	_ =	shalt  }
0x75: {  	_ =	shalt  }
0x76: {  	_ =	shalt  }
0x77: {  	_ =	shalt  }
0x78: {  	_ =	shalt  }
0x79: {  	_ =	shalt  }
0x7a: {  	_ =	shalt  }
0x7b: {  	_ =	shalt  }
0x7c: {  	_ =	shalt  }
0x7d: {  	_ =	shalt  }
0x7e: {  	_ =	shalt  }
0x7f: {  	_ =	shalt  }
0x80: {  	_ =	shalt  }
0x81: {  	_ =	shalt  }
0x82: {  	_ =	shalt  }
0x83: {  	_ =	shalt  }
0x84: {  	_ =	shalt  }
0x85: {  	_ =	shalt  }
0x86: {  	_ =	shalt  }
0x87: {  	_ =	shalt  }
.Lfunc_end0:
.L_simem_size_0:
called_computation_lowered:
.L_overlay_start_0:
0x88: {  	s2 =	sld [smem:$0x3FD9]  }
0x89: {  	s3 =	sld [smem:$0x3FFE];
	_ =	sdelay $0x1  }
0x8a: {  	s1 =	srdreg.scid  }
0x8b: {  	s0 =	sand.u32 $0x1, s1  }
0x8c: {  	s18 =	sshll.u32 s0, $0xA;
	s2 =	sadd.s32 s3, s2  }
0x8d: {  	s2 =	sadd.s32 s2, s18  }
0x8e: {  	[smem:$0x3FC6] =	sst s2  }
0x8f: {  	_ = 	snop  }
0x90: {  	s2 =	sld [smem:$0x3FC9]  }
0x91: {  	s19 =	sld [smem:$0x3FC8]  }
0x92: {  	s4 =	sld [smem:$0x3FD0];
	(tm) =	ssettm $0x1  }
0x93: {  	s5 =	sld [smem:$0x3FFB];
	_ =	sdelay $0x3  }
0x94: {  	_ =	strace s5  }
0x95: {  	s5 =	sld [smem:$0x3FFC];
	_ =	sdelay $0x3  }
0x96: {  	_ =	strace s5  }
0x97: {  	s5 =	sld [smem:$0x3FFD];
	_ =	sdelay $0x3  }
0x98: {  	_ =	strace s5  }
0x99: {  	_ =	strace $0x8FFFFFFF  }
0x9a: {  	s20 =	sld [smem:$0x3FDB];
	_ =	sdelay $0x1  }
0x9b: {  	s6 =	simm.s32 $_scs_section_size  }
0x9c: {  	s7 =	simm.s32 $_size__tile_overlayer_lowered;
	s8 =	simm.s32 $_tile_overlayer_lowered  }
0x9d: {  	s23 =	simm.s32 $0x1BFF;
	s22 =	sshll.u32 s8, $0x1;
	s5 =	sadd.s32 s6, s20  }
0x9e: {  	s9 =	simm.s32 $0x0;
	s21 =	sshll.u32 s7, $0x1;
	s7 =	sadd.s32 s22, s5  }
0x9f: {  	[timem:s9], [sflag:s23] =	dma.local [hbm:s7], s21  }
0xa0: {  	_ =	swait.ge [sflag:s23], s21  }
0xa1: {  	s6 =	ssub.s32 $0x0, s21;
	[sflag:s23] =	ssyncset.done $0x0  }
0xa2: {  	[sflag:s23] =	ssyncadd.s32 s6;
	_ =	sdelay $0x1  }
0xa3: {  	s24 =	simm.s32 $0x1B8B  }
0xa4: {  	_ =	swait.ge [sflag:s24], $0x1  }
0xa5: {  	[sflag:s24] =	ssyncset.done $0x0  }
0xa6: {  	s25 =	simm.s32 $0x1B8E;
	[sflag:s24] =	ssyncadd.s32 $0xFFFFFFFF  }
0xa7: {  	s26 =	simm.s32 $execute0_lowered;
	[smem:$0x3FD2] =	sst s25  }
0xa8: {  	s6 =	sshll.u32 s26, $0x1;
	_ =	strace $0x80000046;
	[dreg:$0x1] =	wrdreg $0xFFFFFFFF  }
0xa9: {  	s28 =	simm.s32 $_size_execute0_lowered;
	s5 =	sadd.s32 s5, s6;
	[dreg:$0x0] =	wrdreg $0x0  }
0xaa: {  	s6 =	sshll.u32 s28, $0x1;
	[dreg:$0x2] =	wrdreg s5  }
0xab: {  	[dreg:$0x3] =	wrdreg s6  }
0xac: {  	[dreg:$0x4] =	wrdreg $0xC0  }
0xad: {  	_ =	task [dreg:s9], $0x5FFFF  }
0xae: {  	[dreg:$0x1] =	wrdreg $0xFFFFFFFF  }
0xaf: {  	[dreg:$0x0] =	wrdreg $0x60  }
0xb0: {  	[dreg:$0x2] =	wrdreg s2  }
0xb1: {  	[dreg:$0x3] =	wrdreg s19  }
0xb2: {  	[dreg:$0x4] =	wrdreg s4  }
0xb3: {  	[dreg:$0x5] =	wrdreg $0xAA000  }
0xb4: {  	[dreg:$0x6] =	wrdreg $0x9  }
0xb5: {  	_ =	task.clear_ibuf [dreg:s9], $0x7FFFF;
	_ =	strace $0x90000046  }
0xb6: {  	s29 =	simm.s32 $0x9;
	_ =	strace $0x80000048  }
0xb7: {  	_ =	swait.ge [sflag:s29], $0x1  }
0xb8: {  	[sflag:s29] =	ssyncadd.s32 $0xFFFFFFFF  }
0xb9: {  	_ =	strace $0x90000048  }
0xba: {  	_ =	sfence  }
0xbb: {  	s30 =	sld [smem:$0x0];
	_ =	sdelay $0x2  }
0xbc: {  	s31 =	sshll.u32 s1, $0xD;
	s1 =	sshrl.u32 s1, $0x2  }
0xbd: {  	s3 =	sand.u32 $0x4000, s31;
	s1 =	sadd.s32 s1, s30  }
0xbe: {  	s0 =	sor.u32 s3, s0;
	s1 =	sshll.u32 s1, $0x11  }
0xbf: {  	s0 =	sor.u32 s1, s0  }
0xc0: {  	s0 =	sadd.s32 $0x8F2B, s0  }
0xc1: {  	[sflag:s0] =	ssyncadd.remote.s32 $0x1  }
0xc2: {  	_ =	sfence.sel $0xFFFF  }
0xc3: {  	[dreg:$0x0] =	wrdreg $0xFFFFFFFF;
	(pc) =	sbr.abs _section_cstart, $3  }
0xc4: {  	[dreg:$0x1] =	wrdreg $0xFFFFFFFF  }
0xc5: {  	_ =	task.clear_ibuf [dreg:s9], $0x2FFFF;
	_ =	strace $0x9FFFFFFF  }
0xc6: {  	(tm) =	ssettm $0x7FFFFFFF  }
0xc7: {  	_ =	shalt  }
tec
execute0_lowered:
.L_overlay_start_1:
0x0: {  	(tag) =	ssettag $0x1  }
0x1: {  	s1 =	rddreg [dreg:$0x0]  }
0x2: {  	s0 =	rddreg [dreg:$0x1]  }
0x3: {  	s3 =	rddreg [dreg:$0x2]  }
0x4: {  	s2 =	rddreg [dreg:$0x3]  }
0x5: {  	s4 =	srdreg.scid;
	s6 =	simm.s32 $0x0;
	s11 =	stileid.u32  }
0x6: {  	s15 =	simm.s32 $0x3;
	s16 =	simm.s32 $0x800;
	s17 =	simm.s32 $0xA00  }
0x7: {  	s18 =	simm.s32 $0x880;
	s19 =	simm.s32 $0x3200;
	s20 =	simm.s32 $0x50  }
0x8: {  	s30 =	simm.s32 $0x900;
	s31 =	simm.s32 $0x980;
	s7 =	smul.u32 $0x4F000, s11  }
0x9: {  	s4 =	sand.u32 $0x1, s4;
	[smem:$0x7FF] =	sst s6;
	s10 =	smul.u32 $0x2780, s11  }
0xa: {  	s12 =	sadd.s32 $0x128400, s2;
	s25 =	smul.u32 $0x4E200, s11;
	p0 =	seq.s32 s11, $0xF  }
0xb: {  	s5 =	sshll.u32 s4, $0x4;
	_ =	strace $0x80000047;
	[dreg:$0x6] =	wrdreg s30  }
0xc: {  	s8 =	ssub.s32 $0x2, s4;
	s4 =	smul.u32 $0x4E2000, s4;
	[dreg:$0x7] =	wrdreg s31  }
0xd: {  	s21 =	sor.u32 s11, s5;
	s9 =	sshrl.u32 s8, $0x1;
	s7 =	sshrl.u32 s7, $0x2  }
0xe: {  	s22 =	sadd.s32 s0, s10;
	s0 =	sadd.s32 $0x25080, s0;
	s5 =	smul.u32 $0x2710, s21  }
0xf: {  	s8 =	ssub.s32 s8, s9;
	s6 =	smul.u32 $0x271000, s21;
	[dreg:$0x8] =	wrdreg s22  }
0x10: {  	s7 =	sadd.s32 s7, s2;
	[dreg:$0x9] =	wrdreg s0;
	s28 =	sadd.s32 s4, s3  }
0x11: {  	s29 =	smax.u32 s8, $0x1;
	s23 =	sshrl.u32 s5, $0x3;
	s6 =	sshrl.u32 s6, $0x3  }
0x12: {  	[dreg:$0xd] =	wrdreg s29;
	s0 =	sadd.s32 s1, s23;
	s24 =	sadd.s32 s3, s6  }
0x13: {  	s21 =	simm.s32 $0x5A00;
	[dreg:$0xa] =	wrdreg s0;
	s26 =	sadd.s32 $0x4D800, s24  }
0x14: {  	s22 =	simm.s32 $0x8200;
	s0 =	sadd.s32 $0x4D880, s24;
	[dreg:$0xb] =	wrdreg s26  }
0x15: {  	s14 =	sshrl.u32 @!p0 s7, $0x3;
	[dreg:$0xc] =	wrdreg s0;
	s0 =	sadd.s32 s25, s28  }
0x16: {  	s23 =	simm.s32 $0x1;
	[dreg:$0x5] =	wrdreg s0;
	s0 =	sshrl.u32 @p0 s12, $0x3  }
0x17: {  	s24 =	simm.s32 $0x400;
	[dreg:$0xe] =	wrdreg s0;
	s0 =	sshll.u32 @!p0 s11, $0x6  }
0x18: {  	s25 =	simm.s32 $0x2;
	s26 =	simm.s32 $0x0;
	s13 =	sor.u32 @!p0 $0x1C03, s0  }
.LBB2_1:
0x19: {  	s3 =	rddreg [dreg:$0x9]  }
0x1a: {  	s0 =	simm.s32 @p0 $0x1FC3;
	s4 =	rddreg [dreg:$0xe]  }
0x1b: {  	[spmem:s4], [sflag:s0] =	dma.local @p0 [hbm:s3], $0x2080  }
0x1c: {  	s0 =	simm.s32 @p0 $0x3  }
0x1d: {  	_ =	swait.ge @p0 [sflag:s0], $0x2080  }
0x1e: {  	[sflag:s0] =	ssyncset.done @p0 $0x0  }
0x1f: {  	[sflag:s0] =	ssyncadd.s32 @p0 $0xFFFFDF80;
	s0 =	rddreg [dreg:$0x8]  }
0x20: {  	[spmem:s14], [sflag:s13] =	dma.local @!p0 [hbm:s0], $0x2780  }
0x21: {  	s0 =	simm.s32 @!p0 $0x3  }
0x22: {  	_ =	swait.ge @!p0 [sflag:s0], $0x2780  }
0x23: {  	[sflag:s0] =	ssyncset.done @!p0 $0x0  }
0x24: {  	s9 =	simm.s32 $0x0;
	s10 =	rddreg [dreg:$0xa];
	[sflag:s0] =	ssyncadd.s32 @!p0 $0xFFFFD880  }
0x25: {  	[tilespmem:s9], [sflag:$0x3] =	stream.linear.gather [hbm4b:s10+s9], $0x7D0, $0x38;
	[tilespmem:$0x1E280] =	vst v63  }
0x26: {  	_ =	swait.ge [sflag:s15], $0x7D0  }
0x27: {  	[sflag:s15] =	ssyncset.done $0x0  }
0x28: {  	[sflag:s15] =	ssyncadd.s32 $0xFFFFF830  }
0x29: {  	[bflag:$0x0] =	sbarrier.arrive $0xFFFF  }
0x2a: {  	v0 =	vld [tilespmem:$0x0];
	_ =	sdelay $0x1  }
0x2b: {  	v1 =	vld [tilespmem:$0x10];
	_ =	sdelay $0x1  }
0x2c: {  	s0 =	simm.s32 $0x1;
	v2 =	vld [tilespmem:$0x20]  }
0x2d: {  	s11 =	smul.u32 $0x29, s0;
	v3 =	vand.u32 $0xFFFF, v0  }
0x2e: {  	v0 =	vshrl.u32 v0, $0x10;
	[tilespmem:$0x800] =	vst v3;
	v3 =	vld [tilespmem:$0x30]  }
0x2f: {  	s3 =	sand.u32 $0xFF, s11;
	[tilespmem:$0x880] =	vst v0;
	v0 =	vand.u32 $0xFFFF, v1  }
0x30: {  	p1 =	sgt.u32 s3, $0xA;
	[tilespmem:$0x810] =	vst v0;
	v0 =	vshrl.u32 v1, $0x10;
	v1 =	vld [tilespmem:$0x40]  }
0x31: {  	s0 =	smul.u32 @!p1 $0x29, s0;
	[tilespmem:$0x890] =	vst v0;
	v0 =	vand.u32 $0xFFFF, v2  }
0x32: {  	[tilespmem:$0x820] =	vst v0;
	v0 =	vshrl.u32 v2, $0x10  }
0x33: {  	s0 =	sshrl.u32 @!p1 s0, $0xA;
	[tilespmem:$0x8A0] =	vst v0;
	v0 =	vand.u32 $0xFFFF, v3  }
0x34: {  	s0 =	sand.u32 @!p1 $0x3F, s0;
	[tilespmem:$0x830] =	vst v0;
	v0 =	vshrl.u32 v3, $0x10  }
0x35: {  	s12 =	sand.u32 $0xFFF0, s20;
	s0 =	smul.u32 @!p1 $0x7D0, s0;
	[tilespmem:$0x8B0] =	vst v0;
	v0 =	vand.u32 $0xFFFF, v1  }
0x36: {  	s3 =	sshrl.u32 s12, $0x4;
	[tilespmem:$0x840] =	vst v0;
	v0 =	vshrl.u32 v1, $0x10  }
0x37: {  	s3 =	smul.u32 $0x1063, s3;
	s0 =	sadd.s32 @!p1 s5, s0;
	[tilespmem:$0x8C0] =	vst v0  }
0x38: {  	[tilespmem:s17], [sflag:$0x1] =	stream.indirect.gather [spmem:s2], $0x80, s16, s20, $0xb8;
	[tilespmem:$0x1E280] =	vst v63  }
0x39: {  	s4 =	simm.s32 @!p1 $0x3;
	s3 =	sshrl.u32 s3, $0x13;
	s0 =	sshrl.u32 @!p1 s0, $0x3  }
0x3a: {  	[tilespmem:s19], [sflag:$0x1] =	stream.indirect.gather [spmem:s2], $0x80, s18, s20, $0xb8;
	[tilespmem:$0x1E280] =	vst v63  }
0x3b: {  	s6 =	simm.s32 @!p1 $0x0;
	s3 =	smul.u32 $0x7D0, s3;
	s0 =	sadd.s32 @!p1 s1, s0  }
0x3c: {  	[tilespmem:s6], [sflag:$0x3] =	stream.linear.gather @!p1 [hbm4b:s0+s6], $0x7D0, $0x38;
	[tilespmem:$0x1E280] =	vst v63  }
0x3d: {  	_ =	swait.ge @!p1 [sflag:s4], $0x7D0  }
0x3e: {  	s3 =	ssub.s32 $0x50, s3;
	[sflag:s4] =	ssyncset.done @!p1 $0x0  }
0x3f: {  	s0 =	sand.u32 $0xFFFF, s3;
	[sflag:s4] =	ssyncadd.s32 @!p1 $0xFFFFF830  }
0x40: {  	v0 =	vld [tilespmem:s0+$0x0];
	_ =	sdelay $0x4  }
0x41: {  	v1 =	vshrl.u32 v0, $0x10  }
0x42: {  	v0 =	vand.u32 $0xFFFF, v0;
	[tilespmem:$0x980] =	vst v1  }
0x43: {  	[tilespmem:$0x900] =	vst v0  }
0x44: {  	v0 =	vld [tilespmem:s0+$0x10];
	_ =	sdelay $0x4  }
0x45: {  	v1 =	vand.u32 $0xFFFF, v0  }
0x46: {  	v0 =	vshrl.u32 v0, $0x10;
	[tilespmem:$0x910] =	vst v1  }
0x47: {  	[tilespmem:$0x990] =	vst v0  }
0x48: {  	v0 =	vld [tilespmem:s0+$0x20];
	_ =	sdelay $0x4  }
0x49: {  	v1 =	vand.u32 $0xFFFF, v0  }
0x4a: {  	v0 =	vshrl.u32 v0, $0x10;
	[tilespmem:$0x920] =	vst v1  }
0x4b: {  	[tilespmem:$0x9A0] =	vst v0  }
0x4c: {  	v0 =	vld [tilespmem:s0+$0x30];
	_ =	sdelay $0x4  }
0x4d: {  	v1 =	vand.u32 $0xFFFF, v0  }
0x4e: {  	v0 =	vshrl.u32 v0, $0x10;
	[tilespmem:$0x930] =	vst v1  }
0x4f: {  	[tilespmem:$0x9B0] =	vst v0  }
0x50: {  	v0 =	vld [tilespmem:s0+$0x40];
	_ =	sdelay $0x3  }
0x51: {  	s7 =	smul.u32 $0x29, s25  }
0x52: {  	v1 =	vand.u32 $0xFFFF, v0  }
0x53: {  	s3 =	sand.u32 $0xFF, s7;
	v0 =	vshrl.u32 v0, $0x10;
	[tilespmem:$0x940] =	vst v1  }
0x54: {  	s6 =	rddreg [dreg:$0x6];
	p1 =	sgt.u32 s3, $0xA;
	[tilespmem:$0x9C0] =	vst v0  }
0x55: {  	[tilespmem:s21], [sflag:$0x2] =	stream.indirect.gather [spmem:s2], $0x80, s6, s20, $0xb8;
	[tilespmem:$0x1E280] =	vst v63  }
0x56: {  	s8 =	rddreg [dreg:$0x7];
	s0 =	smul.u32 @!p1 $0x29, s25  }
0x57: {  	[tilespmem:s22], [sflag:$0x2] =	stream.indirect.gather [spmem:s2], $0x80, s8, s20, $0xb8;
	[tilespmem:$0x1E280] =	vst v63  }
0x58: {  	s10 =	smul.u32 $0x50, s25;
	s0 =	sshrl.u32 @!p1 s0, $0xA;
	_ =	swait.ge [sflag:s23], $0x5000  }
0x59: {  	s0 =	sand.u32 @!p1 $0x3F, s0;
	s9 =	rddreg [dreg:$0x5];
	[sflag:s23] =	ssyncset.done $0x0  }
0x5a: {  	s0 =	smul.u32 @!p1 $0x7D0, s0;
	[sflag:s23] =	ssyncadd.s32 $0xFFFFB000;
	s3 =	sadd.s32 $0x0, s9  }
0x5b: {  	[hbm4b:s3+s24] =	stream.strided.scatter [tilespmem:s17], [sflag:$0x3], $0x2800, s16, s24, $0x38;
	[tilespmem:$0x1E280] =	vst v63  }
0x5c: {  	s11 =	sand.u32 $0xFFF0, s10;
	s0 =	sadd.s32 @!p1 s5, s0;
	_ =	swait.ge [sflag:s15], $0x2800  }
0x5d: {  	s6 =	sshrl.u32 s11, $0x4;
	s0 =	sshrl.u32 @!p1 s0, $0x3;
	[sflag:s15] =	ssyncset.done $0x0  }
0x5e: {  	s6 =	smul.u32 $0x1063, s6;
	s7 =	sadd.s32 $0x80, s3;
	[sflag:s15] =	ssyncadd.s32 $0xFFFFD800  }
0x5f: {  	[hbm4b:s7+s24] =	stream.strided.scatter [tilespmem:s19], [sflag:$0x3], $0x2800, s16, s24, $0x38;
	[tilespmem:$0x1E280] =	vst v63  }
0x60: {  	s0 =	sadd.s32 @!p1 s1, s0;
	_ =	swait.ge [sflag:s15], $0x2800  }
0x61: {  	s8 =	simm.s32 @!p1 $0x0;
	s6 =	sshrl.u32 s6, $0x13;
	[sflag:s15] =	ssyncset.done $0x0  }
0x62: {  	s6 =	smul.u32 $0x7D0, s6;
	s7 =	simm.s32 @!p1 $0x3;
	[sflag:s15] =	ssyncadd.s32 $0xFFFFD800  }
0x63: {  	[tilespmem:s8], [sflag:$0x3] =	stream.linear.gather @!p1 [hbm4b:s0+s8], $0x7D0, $0x38;
	[tilespmem:$0x1E280] =	vst v63  }
0x64: {  	s28 =	simm.s32 $0x1400;
	_ =	swait.ge @!p1 [sflag:s7], $0x7D0  }
0x65: {  	s31 =	simm.s32 $0x2800;
	s12 =	ssub.s32 s10, s6;
	[sflag:s7] =	ssyncset.done @!p1 $0x0  }
0x66: {  	s6 =	simm.s32 $0x3;
	s4 =	sand.u32 $0xFFF0, s12;
	[sflag:s7] =	ssyncadd.s32 @!p1 $0xFFFFF830  }
0x67: {  	s29 =	simm.s32 $0x4;
	s30 =	simm.s32 $0x50;
	s0 =	smul.u32 $0x29, s6;
	v0 =	vld [tilespmem:s4+$0x0]  }
.LBB2_2:
0x68: {  	_ =	sdelay $0x3  }
0x69: {  	v1 =	vand.u32 $0xFFFF, v0  }
0x6a: {  	v0 =	vshrl.u32 v0, $0x10;
	[tilespmem:$0x800] =	vst v1  }
0x6b: {  	[tilespmem:$0x880] =	vst v0  }
0x6c: {  	v0 =	vld [tilespmem:s4+$0x10];
	_ =	sdelay $0x4  }
0x6d: {  	v1 =	vand.u32 $0xFFFF, v0  }
0x6e: {  	v0 =	vshrl.u32 v0, $0x10;
	[tilespmem:$0x810] =	vst v1  }
0x6f: {  	[tilespmem:$0x890] =	vst v0  }
0x70: {  	v0 =	vld [tilespmem:s4+$0x20];
	_ =	sdelay $0x4  }
0x71: {  	v1 =	vand.u32 $0xFFFF, v0  }
0x72: {  	v0 =	vshrl.u32 v0, $0x10;
	[tilespmem:$0x820] =	vst v1  }
0x73: {  	[tilespmem:$0x8A0] =	vst v0  }
0x74: {  	v0 =	vld [tilespmem:s4+$0x30];
	_ =	sdelay $0x4  }
0x75: {  	v1 =	vand.u32 $0xFFFF, v0  }
0x76: {  	v0 =	vshrl.u32 v0, $0x10;
	[tilespmem:$0x830] =	vst v1  }
0x77: {  	[tilespmem:$0x8B0] =	vst v0  }
0x78: {  	v0 =	vld [tilespmem:s4+$0x40];
	_ =	sdelay $0x4  }
0x79: {  	v1 =	vand.u32 $0xFFFF, v0  }
0x7a: {  	v0 =	vshrl.u32 v0, $0x10;
	[tilespmem:$0x840] =	vst v1  }
0x7b: {  	[tilespmem:$0x8C0] =	vst v0  }
0x7c: {  	[tilespmem:s17], [sflag:$0x1] =	stream.indirect.gather [spmem:s2], $0x80, s16, s20, $0xb8;
	[tilespmem:$0x1E280] =	vst v63  }
0x7d: {  	s30 =	sadd.s32 $0xA0, s30  }
0x7e: {  	[tilespmem:s19], [sflag:$0x1] =	stream.indirect.gather [spmem:s2], $0x80, s18, s20, $0xb8;
	[tilespmem:$0x1E280] =	vst v63  }
0x7f: {  	s8 =	sadd.s32 $0xA00, s3;
	s7 =	sand.u32 $0xFF, s0;
	_ =	swait.ge [sflag:s25], $0x5000  }
0x80: {  	s11 =	sadd.s32 $0xA80, s3;
	p2 =	sgt.u32 s7, $0xA;
	[sflag:s25] =	ssyncset.done $0x0  }
0x81: {  	s12 =	sand.u32 $0xFFF0, s30;
	s6 =	smul.u32 @!p2 $0x29, s6;
	[sflag:s25] =	ssyncadd.s32 $0xFFFFB000  }
0x82: {  	[hbm4b:s8+s24] =	stream.strided.scatter [tilespmem:s21], [sflag:$0x3], $0x2800, s16, s24, $0x38;
	[tilespmem:$0x1E280] =	vst v63  }
0x83: {  	s7 =	sshrl.u32 s12, $0x4;
	s6 =	sshrl.u32 @!p2 s6, $0xA;
	_ =	swait.ge [sflag:s15], $0x2800  }
0x84: {  	s7 =	smul.u32 $0x1063, s7;
	s6 =	sand.u32 @!p2 $0x3F, s6;
	[sflag:s15] =	ssyncset.done $0x0  }
0x85: {  	s9 =	simm.s32 @!p2 $0x3;
	s6 =	smul.u32 @!p2 $0x7D0, s6;
	[sflag:s15] =	ssyncadd.s32 $0xFFFFD800  }
0x86: {  	[hbm4b:s11+s24] =	stream.strided.scatter [tilespmem:s22], [sflag:$0x3], $0x2800, s16, s24, $0x38;
	[tilespmem:$0x1E280] =	vst v63  }
0x87: {  	s10 =	simm.s32 @!p2 $0x0;
	s6 =	sadd.s32 @!p2 s5, s6;
	_ =	swait.ge [sflag:s15], $0x2800  }
0x88: {  	s7 =	sshrl.u32 s7, $0x13;
	s6 =	sshrl.u32 @!p2 s6, $0x3;
	[sflag:s15] =	ssyncset.done $0x0  }
0x89: {  	s7 =	smul.u32 $0x7D0, s7;
	s6 =	sadd.s32 @!p2 s1, s6;
	[sflag:s15] =	ssyncadd.s32 $0xFFFFD800  }
0x8a: {  	[tilespmem:s10], [sflag:$0x3] =	stream.linear.gather @!p2 [hbm4b:s6+s10], $0x7D0, $0x38;
	[tilespmem:$0x1E280] =	vst v63  }
0x8b: {  	_ =	swait.ge @!p2 [sflag:s9], $0x7D0  }
0x8c: {  	s7 =	ssub.s32 s30, s7;
	[sflag:s9] =	ssyncset.done @!p2 $0x0  }
0x8d: {  	s3 =	sand.u32 $0xFFFF, s7;
	[sflag:s9] =	ssyncadd.s32 @!p2 $0xFFFFF830  }
0x8e: {  	v0 =	vld [tilespmem:s3+$0x0];
	_ =	sdelay $0x4  }
0x8f: {  	v1 =	vand.u32 $0xFFFF, v0;
	v0 =	vshrl.u32 v0, $0x10  }
0x90: {  	[tilespmem:$0x980] =	vst v0  }
0x91: {  	[tilespmem:$0x900] =	vst v1  }
0x92: {  	v0 =	vld [tilespmem:s3+$0x10];
	_ =	sdelay $0x4  }
0x93: {  	v1 =	vand.u32 $0xFFFF, v0  }
0x94: {  	v0 =	vshrl.u32 v0, $0x10;
	[tilespmem:$0x910] =	vst v1  }
0x95: {  	[tilespmem:$0x990] =	vst v0  }
0x96: {  	v0 =	vld [tilespmem:s3+$0x20];
	_ =	sdelay $0x4  }
0x97: {  	v1 =	vand.u32 $0xFFFF, v0  }
0x98: {  	v0 =	vshrl.u32 v0, $0x10;
	[tilespmem:$0x920] =	vst v1  }
0x99: {  	[tilespmem:$0x9A0] =	vst v0  }
0x9a: {  	v0 =	vld [tilespmem:s3+$0x30]  }
0x9b: {  	s9 =	smul.u32 $0x29, s29;
	_ =	sdelay $0x1  }
0x9c: {  	s4 =	sand.u32 $0xFF, s9  }
0x9d: {  	p2 =	sgt.u32 s4, $0xA  }
0x9e: {  	s4 =	smul.u32 @!p2 $0x29, s29;
	v1 =	vand.u32 $0xFFFF, v0  }
0x9f: {  	v0 =	vshrl.u32 v0, $0x10;
	[tilespmem:$0x930] =	vst v1  }
0xa0: {  	s4 =	sshrl.u32 @!p2 s4, $0xA;
	[tilespmem:$0x9B0] =	vst v0  }
0xa1: {  	s9 =	smul.u32 $0x50, s29;
	s4 =	sand.u32 @!p2 $0x3F, s4;
	v0 =	vld [tilespmem:s3+$0x40]  }
0xa2: {  	s4 =	smul.u32 @!p2 $0x7D0, s4;
	_ =	sdelay $0x1  }
0xa3: {  	s10 =	sand.u32 $0xFFF0, s9;
	s4 =	sadd.s32 @!p2 s5, s4  }
0xa4: {  	s10 =	sshrl.u32 s10, $0x4;
	s4 =	sshrl.u32 @!p2 s4, $0x3  }
0xa5: {  	s11 =	sadd.s32 @!p2 s1, s4;
	s4 =	smul.u32 $0x1063, s10;
	v1 =	vand.u32 $0xFFFF, v0  }
0xa6: {  	v0 =	vshrl.u32 v0, $0x10;
	[tilespmem:$0x940] =	vst v1  }
0xa7: {  	s6 =	rddreg [dreg:$0x6];
	s4 =	sshrl.u32 s4, $0x13;
	[tilespmem:$0x9C0] =	vst v0  }
0xa8: {  	[tilespmem:s21], [sflag:$0x2] =	stream.indirect.gather [spmem:s2], $0x80, s6, s20, $0xb8;
	[tilespmem:$0x1E280] =	vst v63  }
0xa9: {  	s7 =	rddreg [dreg:$0x7];
	s3 =	smul.u32 $0x7D0, s4  }
0xaa: {  	[tilespmem:s22], [sflag:$0x2] =	stream.indirect.gather [spmem:s2], $0x80, s7, s20, $0xb8;
	[tilespmem:$0x1E280] =	vst v63  }
0xab: {  	_ =	swait.ge [sflag:s23], $0x5000  }
0xac: {  	s3 =	ssub.s32 s9, s3;
	s9 =	rddreg [dreg:$0x5];
	[sflag:s23] =	ssyncset.done $0x0  }
0xad: {  	s4 =	sand.u32 $0xFFF0, s3;
	[sflag:s23] =	ssyncadd.s32 $0xFFFFB000;
	s3 =	sadd.s32 s28, s9  }
0xae: {  	[hbm4b:s3+s24] =	stream.strided.scatter [tilespmem:s17], [sflag:$0x3], $0x2800, s16, s24, $0x38;
	[tilespmem:$0x1E280] =	vst v63  }
0xaf: {  	_ =	swait.ge [sflag:s15], $0x2800  }
0xb0: {  	[sflag:s15] =	ssyncset.done $0x0  }
0xb1: {  	s10 =	sadd.s32 $0x80, s3;
	[sflag:s15] =	ssyncadd.s32 $0xFFFFD800  }
0xb2: {  	[hbm4b:s10+s24] =	stream.strided.scatter [tilespmem:s19], [sflag:$0x3], $0x2800, s16, s24, $0x38;
	[tilespmem:$0x1E280] =	vst v63  }
0xb3: {  	_ =	swait.ge [sflag:s15], $0x2800  }
0xb4: {  	s0 =	smov.u32 s31;
	s31 =	sadd.s32 $0x1400, s31;
	[sflag:s15] =	ssyncset.done $0x0  }
0xb5: {  	p1 =	sne.s32 s31, $0x4D800;
	s12 =	simm.s32 @!p2 $0x0;
	[sflag:s15] =	ssyncadd.s32 $0xFFFFD800  }
0xb6: {  	[tilespmem:s12], [sflag:$0x3] =	stream.linear.gather @!p2 [hbm4b:s11+s12], $0x7D0, $0x38;
	[tilespmem:$0x1E280] =	vst v63  }
.Ltmp0:
0xb7: {  	s8 =	simm.s32 @!p2 $0x3;
	(pc) =	sbr.rel @p1 .LBB2_2-.Ltmp0, $4  }
0xb8: {  	_ =	swait.ge @!p2 [sflag:s8], $0x7D0  }
0xb9: {  	s29 =	sadd.s32 $0x2, s29;
	[sflag:s8] =	ssyncset.done @!p2 $0x0  }
0xba: {  	s6 =	sadd.s32 $0xFFFFFFFF, s29;
	[sflag:s8] =	ssyncadd.s32 @!p2 $0xFFFFF830  }
0xbb: {  	s28 =	smov.u32 s0;
	s0 =	smul.u32 $0x29, s6;
	v0 =	vld [tilespmem:s4+$0x0]  }
0xbc: {  	_ =	sdelay $0x3  }
0xbd: {  	v1 =	vand.u32 $0xFFFF, v0  }
0xbe: {  	v47 =	vshrl.u32 v0, $0x10;
	[tilespmem:$0x800] =	vst v1  }
0xbf: {  	[tilespmem:$0x880] =	vst v47  }
0xc0: {  	v0 =	vld [tilespmem:s4+$0x10];
	_ =	sdelay $0x4  }
0xc1: {  	v48 =	vand.u32 $0xFFFF, v0  }
0xc2: {  	v0 =	vshrl.u32 v0, $0x10;
	[tilespmem:$0x810] =	vst v48  }
0xc3: {  	[tilespmem:$0x890] =	vst v0  }
0xc4: {  	v0 =	vld [tilespmem:s4+$0x20];
	_ =	sdelay $0x4  }
0xc5: {  	v49 =	vand.u32 $0xFFFF, v0  }
0xc6: {  	v0 =	vshrl.u32 v0, $0x10;
	[tilespmem:$0x820] =	vst v49  }
0xc7: {  	[tilespmem:$0x8A0] =	vst v0  }
0xc8: {  	v0 =	vld [tilespmem:s4+$0x30];
	_ =	sdelay $0x4  }
0xc9: {  	v50 =	vand.u32 $0xFFFF, v0  }
0xca: {  	v0 =	vshrl.u32 v0, $0x10;
	[tilespmem:$0x830] =	vst v50  }
0xcb: {  	[tilespmem:$0x8B0] =	vst v0  }
0xcc: {  	v0 =	vld [tilespmem:s4+$0x40];
	_ =	sdelay $0x4  }
0xcd: {  	v51 =	vand.u32 $0xFFFF, v0  }
0xce: {  	v0 =	vshrl.u32 v0, $0x10;
	[tilespmem:$0x840] =	vst v51  }
0xcf: {  	[tilespmem:$0x8C0] =	vst v0  }
0xd0: {  	[tilespmem:s17], [sflag:$0x1] =	stream.indirect.gather [spmem:s2], $0x80, s16, s20, $0xb8;
	[tilespmem:$0x1E280] =	vst v63  }
0xd1: {  	s7 =	sadd.s32 $0xA0, s30  }
0xd2: {  	[tilespmem:s19], [sflag:$0x1] =	stream.indirect.gather [spmem:s2], $0x80, s18, s20, $0xb8;
	[tilespmem:$0x1E280] =	vst v63  }
0xd3: {  	s9 =	sadd.s32 $0xA80, s3;
	s0 =	sand.u32 $0xFF, s0;
	_ =	swait.ge [sflag:s25], $0x5000  }
0xd4: {  	s8 =	sand.u32 $0xFFF0, s7;
	p1 =	sgt.u32 s0, $0xA;
	[sflag:s25] =	ssyncset.done $0x0  }
0xd5: {  	s0 =	smul.u32 @!p1 $0x29, s6;
	s6 =	sadd.s32 $0xA00, s3;
	[sflag:s25] =	ssyncadd.s32 $0xFFFFB000  }
0xd6: {  	[hbm4b:s6+s24] =	stream.strided.scatter [tilespmem:s21], [sflag:$0x3], $0x2800, s16, s24, $0x38;
	[tilespmem:$0x1E280] =	vst v63  }
0xd7: {  	s10 =	sshrl.u32 s8, $0x4;
	s0 =	sshrl.u32 @!p1 s0, $0xA;
	_ =	swait.ge [sflag:s15], $0x2800  }
0xd8: {  	s3 =	smul.u32 $0x1063, s10;
	s0 =	sand.u32 @!p1 $0x3F, s0;
	[sflag:s15] =	ssyncset.done $0x0  }
0xd9: {  	s0 =	smul.u32 @!p1 $0x7D0, s0;
	[sflag:s15] =	ssyncadd.s32 $0xFFFFD800  }
0xda: {  	[hbm4b:s9+s24] =	stream.strided.scatter [tilespmem:s22], [sflag:$0x3], $0x2800, s16, s24, $0x38;
	[tilespmem:$0x1E280] =	vst v63  }
0xdb: {  	s0 =	sadd.s32 @!p1 s5, s0;
	_ =	swait.ge [sflag:s15], $0x2800  }
0xdc: {  	s11 =	sshrl.u32 s3, $0x13;
	s0 =	sshrl.u32 @!p1 s0, $0x3;
	[sflag:s15] =	ssyncset.done $0x0  }
0xdd: {  	s0 =	sadd.s32 @!p1 s1, s0;
	s6 =	simm.s32 @!p1 $0x0;
	[sflag:s15] =	ssyncadd.s32 $0xFFFFD800  }
0xde: {  	[tilespmem:s6], [sflag:$0x3] =	stream.linear.gather @!p1 [hbm4b:s0+s6], $0x7D0, $0x38;
	[tilespmem:$0x1E280] =	vst v63  }
0xdf: {  	s3 =	simm.s32 @!p1 $0x3;
	s0 =	smul.u32 $0x7D0, s11  }
0xe0: {  	_ =	swait.ge @!p1 [sflag:s3], $0x7D0  }
0xe1: {  	s0 =	ssub.s32 s7, s0;
	[sflag:s3] =	ssyncset.done @!p1 $0x0  }
0xe2: {  	s0 =	sand.u32 $0xFFFF, s0;
	[sflag:s3] =	ssyncadd.s32 @!p1 $0xFFFFF830  }
0xe3: {  	v52 =	vld [tilespmem:s0+$0x0];
	_ =	sdelay $0x4  }
0xe4: {  	v53 =	vshrl.u32 v52, $0x10  }
0xe5: {  	v0 =	vand.u32 $0xFFFF, v52;
	[tilespmem:$0x980] =	vst v53  }
0xe6: {  	[tilespmem:$0x900] =	vst v0  }
0xe7: {  	v0 =	vld [tilespmem:s0+$0x10];
	_ =	sdelay $0x4  }
0xe8: {  	v54 =	vand.u32 $0xFFFF, v0  }
0xe9: {  	v0 =	vshrl.u32 v0, $0x10;
	[tilespmem:$0x910] =	vst v54  }
0xea: {  	[tilespmem:$0x990] =	vst v0  }
0xeb: {  	v0 =	vld [tilespmem:s0+$0x20];
	_ =	sdelay $0x4  }
0xec: {  	v55 =	vand.u32 $0xFFFF, v0  }
0xed: {  	v0 =	vshrl.u32 v0, $0x10;
	[tilespmem:$0x920] =	vst v55  }
0xee: {  	[tilespmem:$0x9A0] =	vst v0  }
0xef: {  	v0 =	vld [tilespmem:s0+$0x30];
	_ =	sdelay $0x4  }
0xf0: {  	v56 =	vand.u32 $0xFFFF, v0  }
0xf1: {  	v0 =	vshrl.u32 v0, $0x10;
	[tilespmem:$0x930] =	vst v56  }
0xf2: {  	[tilespmem:$0x9B0] =	vst v0  }
0xf3: {  	v0 =	vld [tilespmem:s0+$0x40];
	_ =	sdelay $0x4  }
0xf4: {  	v57 =	vand.u32 $0xFFFF, v0  }
0xf5: {  	v0 =	vshrl.u32 v0, $0x10;
	[tilespmem:$0x940] =	vst v57  }
0xf6: {  	s31 =	smul.u32 $0x29, s29;
	s12 =	rddreg [dreg:$0x6];
	[tilespmem:$0x9C0] =	vst v0  }
0xf7: {  	[tilespmem:s21], [sflag:$0x2] =	stream.indirect.gather [spmem:s2], $0x80, s12, s20, $0xb8;
	[tilespmem:$0x1E280] =	vst v63  }
0xf8: {  	s8 =	smul.u32 $0x50, s29;
	s30 =	rddreg [dreg:$0x7]  }
0xf9: {  	[tilespmem:s22], [sflag:$0x2] =	stream.indirect.gather [spmem:s2], $0x80, s30, s20, $0xb8;
	[tilespmem:$0x1E280] =	vst v63  }
0xfa: {  	s10 =	sand.u32 $0xFFF0, s8;
	s6 =	sand.u32 $0xFF, s31;
	_ =	swait.ge [sflag:s23], $0x5000  }
0xfb: {  	p1 =	sgt.u32 s6, $0xA;
	s7 =	rddreg [dreg:$0x5];
	[sflag:s23] =	ssyncset.done $0x0  }
0xfc: {  	s0 =	smul.u32 @!p1 $0x29, s29;
	[sflag:s23] =	ssyncadd.s32 $0xFFFFB000;
	s3 =	sadd.s32 s28, s7  }
0xfd: {  	[hbm4b:s3+s24] =	stream.strided.scatter [tilespmem:s17], [sflag:$0x3], $0x2800, s16, s24, $0x38;
	[tilespmem:$0x1E280] =	vst v63  }
0xfe: {  	s6 =	sshrl.u32 s10, $0x4;
	s0 =	sshrl.u32 @!p1 s0, $0xA;
	_ =	swait.ge [sflag:s15], $0x2800  }
0xff: {  	s6 =	smul.u32 $0x1063, s6;
	s0 =	sand.u32 @!p1 $0x3F, s0;
	[sflag:s15] =	ssyncset.done $0x0  }
0x100: {  	s0 =	smul.u32 @!p1 $0x7D0, s0;
	s9 =	sadd.s32 $0x80, s3;
	[sflag:s15] =	ssyncadd.s32 $0xFFFFD800  }
0x101: {  	[hbm4b:s9+s24] =	stream.strided.scatter [tilespmem:s19], [sflag:$0x3], $0x2800, s16, s24, $0x38;
	[tilespmem:$0x1E280] =	vst v63  }
0x102: {  	s0 =	sadd.s32 @!p1 s5, s0;
	_ =	swait.ge [sflag:s15], $0x2800  }
0x103: {  	s11 =	sshrl.u32 s6, $0x13;
	s0 =	sshrl.u32 @!p1 s0, $0x3;
	[sflag:s15] =	ssyncset.done $0x0  }
0x104: {  	s0 =	sadd.s32 @!p1 s1, s0;
	s7 =	simm.s32 @!p1 $0x0;
	[sflag:s15] =	ssyncadd.s32 $0xFFFFD800  }
0x105: {  	[tilespmem:s7], [sflag:$0x3] =	stream.linear.gather @!p1 [hbm4b:s0+s7], $0x7D0, $0x38;
	[tilespmem:$0x1E280] =	vst v63  }
0x106: {  	s6 =	simm.s32 @!p1 $0x3;
	s0 =	smul.u32 $0x7D0, s11  }
0x107: {  	_ =	swait.ge @!p1 [sflag:s6], $0x7D0  }
0x108: {  	s0 =	ssub.s32 s8, s0;
	[sflag:s6] =	ssyncset.done @!p1 $0x0  }
0x109: {  	[sflag:s6] =	ssyncadd.s32 @!p1 $0xFFFFF830;
	s0 =	sand.u32 $0xFFF0, s0  }
0x10a: {  	v58 =	vld [tilespmem:s0+$0x0];
	_ =	sdelay $0x4  }
0x10b: {  	v59 =	vand.u32 $0xFFFF, v58  }
0x10c: {  	v0 =	vshrl.u32 v58, $0x10;
	[tilespmem:$0x800] =	vst v59  }
0x10d: {  	[tilespmem:$0x880] =	vst v0  }
0x10e: {  	v0 =	vld [tilespmem:s0+$0x10];
	_ =	sdelay $0x4  }
0x10f: {  	v60 =	vand.u32 $0xFFFF, v0  }
0x110: {  	v0 =	vshrl.u32 v0, $0x10;
	[tilespmem:$0x810] =	vst v60  }
0x111: {  	[tilespmem:$0x890] =	vst v0  }
0x112: {  	v0 =	vld [tilespmem:s0+$0x20];
	_ =	sdelay $0x4  }
0x113: {  	v61 =	vand.u32 $0xFFFF, v0  }
0x114: {  	v0 =	vshrl.u32 v0, $0x10;
	[tilespmem:$0x820] =	vst v61  }
0x115: {  	[tilespmem:$0x8A0] =	vst v0  }
0x116: {  	v0 =	vld [tilespmem:s0+$0x30];
	_ =	sdelay $0x4  }
0x117: {  	v62 =	vand.u32 $0xFFFF, v0  }
0x118: {  	v0 =	vshrl.u32 v0, $0x10;
	[tilespmem:$0x830] =	vst v62  }
0x119: {  	[tilespmem:$0x8B0] =	vst v0  }
0x11a: {  	v0 =	vld [tilespmem:s0+$0x40];
	_ =	sdelay $0x4  }
0x11b: {  	v63 =	vand.u32 $0xFFFF, v0  }
0x11c: {  	v0 =	vshrl.u32 v0, $0x10;
	[tilespmem:$0x840] =	vst v63  }
0x11d: {  	[tilespmem:$0x8C0] =	vst v0  }
0x11e: {  	[tilespmem:s17], [sflag:$0x1] =	stream.indirect.gather [spmem:s2], $0x80, s16, s20, $0xb8;
	[tilespmem:$0x1E280] =	vst v63  }
0x11f: {  	_ = 	snop  }
0x120: {  	[tilespmem:s19], [sflag:$0x1] =	stream.indirect.gather [spmem:s2], $0x80, s18, s20, $0xb8;
	[tilespmem:$0x1E280] =	vst v63  }
0x121: {  	_ =	swait.ge [sflag:s25], $0x5000  }
0x122: {  	[sflag:s25] =	ssyncset.done $0x0  }
0x123: {  	s12 =	sadd.s32 $0xA00, s3;
	[sflag:s25] =	ssyncadd.s32 $0xFFFFB000  }
0x124: {  	[hbm4b:s12+s24] =	stream.strided.scatter [tilespmem:s21], [sflag:$0x3], $0x2800, s16, s24, $0x38;
	[tilespmem:$0x1E280] =	vst v63  }
0x125: {  	_ =	swait.ge [sflag:s15], $0x2800  }
0x126: {  	[sflag:s15] =	ssyncset.done $0x0  }
0x127: {  	s28 =	sadd.s32 $0xA80, s3;
	[sflag:s15] =	ssyncadd.s32 $0xFFFFD800  }
0x128: {  	[hbm4b:s28+s24] =	stream.strided.scatter [tilespmem:s22], [sflag:$0x3], $0x2800, s16, s24, $0x38;
	[tilespmem:$0x1E280] =	vst v63  }
0x129: {  	_ =	swait.ge [sflag:s15], $0x2800  }
0x12a: {  	[sflag:s15] =	ssyncset.done $0x0  }
0x12b: {  	[sflag:s15] =	ssyncadd.s32 $0xFFFFD800  }
0x12c: {  	_ =	swait.ge [sflag:s23], $0x5000  }
0x12d: {  	[sflag:s23] =	ssyncset.done $0x0  }
0x12e: {  	s29 =	rddreg [dreg:$0xb];
	[sflag:s23] =	ssyncadd.s32 $0xFFFFB000  }
0x12f: {  	[hbm4b:s29+s24] =	stream.strided.scatter [tilespmem:s17], [sflag:$0x3], $0x2800, s16, s24, $0x38;
	[tilespmem:$0x1E280] =	vst v63  }
0x130: {  	_ =	swait.ge [sflag:s15], $0x2800  }
0x131: {  	[sflag:s15] =	ssyncset.done $0x0  }
0x132: {  	s30 =	rddreg [dreg:$0xc];
	[sflag:s15] =	ssyncadd.s32 $0xFFFFD800  }
0x133: {  	[hbm4b:s30+s24] =	stream.strided.scatter [tilespmem:s19], [sflag:$0x3], $0x2800, s16, s24, $0x38;
	[tilespmem:$0x1E280] =	vst v63  }
0x134: {  	_ =	swait.ge [sflag:s15], $0x2800  }
0x135: {  	s26 =	sadd.s32 $0x1, s26;
	s31 =	rddreg [dreg:$0xd]  }
0x136: {  	p1 =	sne.s32 s26, s31  }
.Ltmp1:
0x137: {  	_ = 	snop;
	(pc) =	sbr.rel @p1 .LBB2_1-.Ltmp1, $3  }
0x138: {  	_ =	sdelay $0x1  }
0x139: {  	[sflag:s15] =	ssyncset.done $0x0  }
0x13a: {  	[sflag:s15] =	ssyncadd.s32 $0xFFFFD800  }
0x13b: {  	_ =	sfence.sel $0x180000  }
0x13c: {  	[bflag:$0x0] =	sbarrier.arrive $0xFFFF  }
0x13d: {  	_ =	strace $0x90000047  }
0x13e: {  	s0 =	stileid.u32;
	[bflag:$0x2] =	sbarrier.arrive $0xFFFF  }
0x13f: {  	p0 =	sne.s32 s0, $0x0;
	s0 =	rddreg [dreg:$0x4]  }
0x140: {  	s0 =	sadd.s32 @!p0 $0x100000, s0  }
0x141: {  	[sflag:s0] =	ssyncadd.tile.s32 @!p0 $0x1;
	_ =	shalt  }
.Lfunc_end2:
_tile_overlayer_lowered:
.L_overlay_start_2:
0x142: {  	(tag) =	ssettag $0x2  }
0x143: {  	s0 =	rddreg [dreg:$0x0];
	s2 =	stileid.u32  }
0x144: {  	s1 =	rddreg [dreg:$0x1];
	p0 =	sne.s32 s2, $0x0  }
0x145: {  	s3 =	rddreg [dreg:$0x2];
	[bflag:$0x3] =	sbarrier.arrive $0xFFFF;
	s2 =	simm.s32 @!p0 $0x1C03  }
0x146: {  	[timem:s3], [sflag:s2] =	dma.local @!p0 [hbm:s0], s1  }
0x147: {  	s0 =	simm.s32 @!p0 $0x3  }
0x148: {  	_ =	swait.ge @!p0 [sflag:s0], s1  }
0x149: {  	s1 =	ssub.s32 @!p0 $0x0, s1;
	[sflag:s0] =	ssyncset.done @!p0 $0x0  }
0x14a: {  	[sflag:s0] =	ssyncadd.s32 @!p0 s1  }
0x14b: {  	[bflag:$0x3] =	sbarrier.arrive $0xFFFF  }
0x14c: {  	_ =	shalt  }

</sc_bundles>
